<compile_context>
chip_gen: v7x
topology: tpu7x:2x2x1
jax: 0.10.2.dev20260603
libtpu: 0.0.44.dev20260713+nightly
codegen_flags: <defaults>
</compile_context>

<pallas_src>
import functools

import jax
import jax.numpy as jnp
from jax import lax
from jax.experimental import pallas as pl
from jax.experimental.pallas import tpu as pltpu
from jax.experimental.pallas import tpu_sc as plsc

N = 100000
E = 6400000
NC = 2
NS = 16
NW = NC * NS
CHUNK = 1024
NB = 4
NCHUNKS = E // CHUNK
BIG_W = NCHUNKS % NW
MAXSTEPS = -(-NCHUNKS // NW)
LOOPSTEPS = MAXSTEPS + NB
ACC_P = 100352
SLICE = ACC_P // NS
QUART = SLICE // 4
LANES = 16

_mesh = plsc.VectorSubcoreMesh(core_axis_name="c", subcore_axis_name="s")


@functools.partial(
    pl.kernel,
    out_type=jax.ShapeDtypeStruct((NC, ACC_P), jnp.float32),
    mesh=_mesh,
    compiler_params=pltpu.CompilerParams(needs_layout_passes=False),
    scratch_types=[
        pltpu.VMEM((N,), jnp.float32),
        pltpu.VMEM((2, CHUNK), jnp.int32),
        pltpu.VMEM((2, CHUNK), jnp.int32),
        pltpu.VMEM((2, CHUNK), jnp.int32),
        pltpu.VMEM((2, CHUNK), jnp.int32),
        pltpu.VMEM((CHUNK,), jnp.float32),
        pltpu.VMEM((CHUNK,), jnp.float32),
        pltpu.VMEM((CHUNK,), jnp.float32),
        pltpu.VMEM((CHUNK,), jnp.float32),
        pltpu.VMEM((CHUNK,), jnp.int32),
        pltpu.VMEM((CHUNK,), jnp.int32),
        pltpu.VMEM((CHUNK,), jnp.int32),
        pltpu.VMEM((CHUNK,), jnp.int32),
        pltpu.VMEM((CHUNK,), jnp.float32),
        pltpu.VMEM((CHUNK,), jnp.float32),
        pltpu.VMEM((CHUNK,), jnp.float32),
        pltpu.VMEM((CHUNK,), jnp.float32),
        pltpu.VMEM_SHARED((ACC_P,), jnp.float32),
        pltpu.SemaphoreType.DMA,
        pltpu.SemaphoreType.DMA,
        pltpu.SemaphoreType.DMA,
        pltpu.SemaphoreType.DMA,
        pltpu.SemaphoreType.DMA,
        pltpu.SemaphoreType.DMA,
        pltpu.SemaphoreType.DMA,
        pltpu.SemaphoreType.DMA,
        pltpu.SemaphoreType.DMA,
    ],
)
def _scatter_add_sc(edge_hbm, w_hbm, v_hbm, out_hbm,
                    v_v, eb0, eb1, eb2, eb3, wv0, wv1, wv2, wv3,
                    db0, db1, db2, db3, msg0, msg1, msg2, msg3,
                    acc_sh, sem_v, sem_i0, sem_i1, sem_i2, sem_i3,
                    sem_s0, sem_s1, sem_s2, sem_s3):
    ebufs = (eb0, eb1, eb2, eb3)
    wvs = (wv0, wv1, wv2, wv3)
    dbufs = (db0, db1, db2, db3)
    msgs = (msg0, msg1, msg2, msg3)
    sems_i = (sem_i0, sem_i1, sem_i2, sem_i3)
    sems_s = (sem_s0, sem_s1, sem_s2, sem_s3)

    c = lax.axis_index("c")
    s = lax.axis_index("s")
    wid = s * NC + c
    nsteps = jnp.where(wid < BIG_W, MAXSTEPS, MAXSTEPS - 1)
    start_w = wid * (MAXSTEPS - 1) + jnp.minimum(wid, BIG_W)

    v_desc = pltpu.async_copy(v_hbm, v_v, sem_v)

    def issue_in(step, j):
        base = (start_w + step) * CHUNK
        pltpu.async_copy(edge_hbm.at[:, pl.ds(base, CHUNK)], ebufs[j],
                         sems_i[j])
        pltpu.async_copy(w_hbm.at[pl.ds(base, CHUNK)], wvs[j], sems_i[j])

    def wait_in(j):
        pltpu.make_async_copy(edge_hbm.at[:, pl.ds(0, CHUNK)], ebufs[j],
                              sems_i[j]).wait()
        pltpu.make_async_copy(w_hbm.at[pl.ds(0, CHUNK)], wvs[j],
                              sems_i[j]).wait()

    def wait_scatter(j):
        pltpu.make_async_copy(msgs[j], acc_sh.at[dbufs[j]], sems_s[j]).wait()

    for j in range(NB):
        issue_in(j, j)

    @plsc.parallel_loop(0, QUART, LANES, unroll=8)
    def _zero(i):
        msg0[pl.ds(i, LANES)] = jnp.zeros((LANES,), jnp.float32)
    for q in range(4):
        pltpu.sync_copy(msg0.at[pl.ds(0, QUART)],
                        acc_sh.at[pl.ds(s * SLICE + q * QUART, QUART)])
    plsc.subcore_barrier()
    v_desc.wait()

    def body(kk, carry):
        for j in range(NB):
            step = kk * NB + j

            @pl.when(jnp.logical_and(step >= NB, step < nsteps + NB))
            def _():
                wait_scatter(j)

            @pl.when(step < nsteps)
            def _():
                wait_in(j)

                @plsc.parallel_loop(0, CHUNK, LANES, unroll=16)
                def _gather(i):
                    sl = pl.ds(i, LANES)
                    vs = plsc.load_gather(v_v, [ebufs[j][0, sl]])
                    msgs[j][sl] = wvs[j][sl] * jnp.maximum(vs, 0.0)
                    dbufs[j][sl] = ebufs[j][1, sl]

                pltpu.async_copy(msgs[j], acc_sh.at[dbufs[j]],
                                 sems_s[j], add=True)

            @pl.when(step + NB < nsteps)
            def _():
                issue_in(step + NB, j)
        return carry

    lax.fori_loop(0, LOOPSTEPS // NB, body, 0)

    plsc.subcore_barrier()
    sl_ = pl.ds(s * SLICE, SLICE)
    pltpu.sync_copy(acc_sh.at[sl_], out_hbm.at[c, sl_])


def _combine_body(p_ref, v_ref, e_ref, r_ref, t_ref, o_ref):
    msg = p_ref[0, pl.ds(0, N)] + p_ref[1, pl.ds(0, N)]
    o_ref[...] = (msg - v_ref[...] + e_ref[...] + r_ref[...]) / t_ref[...]


def kernel(voltage, stimulus, neuron_type, edge_index, w, V_i_rest, tau_i):
    del neuron_type
    partial = _scatter_add_sc(edge_index, w, voltage)

    dv = pl.pallas_call(
        _combine_body,
        out_shape=jax.ShapeDtypeStruct((N,), jnp.float32),
    )(partial, voltage, stimulus, V_i_rest, tau_i)
    return dv[:, None]

# --- scband reference (transcript-rebuilt; emitter-appended) ---
"""Pipeline reference for scband-pde-n9-52106543235553 (READ-ONLY COPY).

The authoritative reference and input builder live on the scoring server;
editing this copy changes nothing except your own understanding.
"""

import jax, jax.numpy as jnp
import numpy as np

N = 100000
E = 6400000

def setup_inputs(seed: int = 0) -> dict:
    key = jax.random.key(seed)
    ks = jax.random.split(key, 7)
    voltage = jax.random.normal(ks[0], (N,), dtype=jnp.float32)
    stimulus = jax.random.normal(ks[1], (N,), dtype=jnp.float32)
    neuron_type = jax.random.randint(ks[2], (N,), 0, 64)
    edge_index = jax.random.randint(ks[3], (2, E), 0, N)
    w = jax.random.normal(ks[4], (E,), dtype=jnp.float32)
    V_i_rest = jax.random.normal(ks[5], (N,), dtype=jnp.float32)
    tau_i = jax.random.uniform(ks[6], (N,), dtype=jnp.float32) + 0.5
    return {
        "voltage": voltage,
        "stimulus": stimulus,
        "neuron_type": neuron_type,
        "edge_index": edge_index,
        "w": w,
        "V_i_rest": V_i_rest,
        "tau_i": tau_i,
    }


def reference(voltage, stimulus, neuron_type, edge_index, w, V_i_rest, tau_i):
    # v: (N, 1)
    v = voltage[:, None]
    e = stimulus[:, None]
    src = edge_index[0]
    dst = edge_index[1]
    # gather source voltages per edge: (E, 1)
    v_src = v[src]
    # default model_type: edge_msg = w * relu(v_src)
    edge_msg = w[:, None] * jax.nn.relu(v_src)
    # scatter_add over destination nodes -> (N, 1)
    msg = jnp.zeros((voltage.shape[0], 1), dtype=voltage.dtype).at[dst].add(edge_msg)
    # dv = (-v + msg + e + v_rest) / tau
    dv = (-v + msg + e + V_i_rest[:, None]) / tau_i[:, None]
    return dv

if __name__ == "__main__":
    import jax
    _d = setup_inputs()
    print(jax.jit(kernel)(*tuple(_d.values())))

</pallas_src>

<mosaic_0001>
#map = affine_map<(d0, d1) -> (0, 0)>
#map1 = affine_map<(d0, d1) -> (0)>
module attributes {stable_mosaic.version = 14 : i64} {
  func.func @_scatter_add_sc(%arg0: i32, %arg1: i32, %arg2: memref<2x6400000xi32, #tpu.memory_space<hbm>>, %arg3: memref<6400000xf32, #tpu.memory_space<hbm>>, %arg4: memref<100000xf32, #tpu.memory_space<hbm>>, %arg5: memref<2x100352xf32, #tpu.memory_space<hbm>>, %arg6: memref<100000xf32, #tpu.memory_space<vmem>>, %arg7: memref<2x1024xi32, #tpu.memory_space<vmem>>, %arg8: memref<2x1024xi32, #tpu.memory_space<vmem>>, %arg9: memref<2x1024xi32, #tpu.memory_space<vmem>>, %arg10: memref<2x1024xi32, #tpu.memory_space<vmem>>, %arg11: memref<1024xf32, #tpu.memory_space<vmem>>, %arg12: memref<1024xf32, #tpu.memory_space<vmem>>, %arg13: memref<1024xf32, #tpu.memory_space<vmem>>, %arg14: memref<1024xf32, #tpu.memory_space<vmem>>, %arg15: memref<1024xi32, #tpu.memory_space<vmem>>, %arg16: memref<1024xi32, #tpu.memory_space<vmem>>, %arg17: memref<1024xi32, #tpu.memory_space<vmem>>, %arg18: memref<1024xi32, #tpu.memory_space<vmem>>, %arg19: memref<1024xf32, #tpu.memory_space<vmem>>, %arg20: memref<1024xf32, #tpu.memory_space<vmem>>, %arg21: memref<1024xf32, #tpu.memory_space<vmem>>, %arg22: memref<1024xf32, #tpu.memory_space<vmem>>, %arg23: memref<100352xf32, #tpu.memory_space<vmem_shared>>, %arg24: memref<!tpu.dma_semaphore, #tpu.memory_space<semaphore_mem>>, %arg25: memref<!tpu.dma_semaphore, #tpu.memory_space<semaphore_mem>>, %arg26: memref<!tpu.dma_semaphore, #tpu.memory_space<semaphore_mem>>, %arg27: memref<!tpu.dma_semaphore, #tpu.memory_space<semaphore_mem>>, %arg28: memref<!tpu.dma_semaphore, #tpu.memory_space<semaphore_mem>>, %arg29: memref<!tpu.dma_semaphore, #tpu.memory_space<semaphore_mem>>, %arg30: memref<!tpu.dma_semaphore, #tpu.memory_space<semaphore_mem>>, %arg31: memref<!tpu.dma_semaphore, #tpu.memory_space<semaphore_mem>>, %arg32: memref<!tpu.dma_semaphore, #tpu.memory_space<semaphore_mem>>) attributes {dimension_semantics = [#tpu.dimension_semantics<core_parallel>, #tpu.dimension_semantics<subcore_parallel>], iteration_bounds = array<i64: 2, 16>, scalar_prefetch = 0 : i64, scratch_operands = 27 : i64, tpu.core_type = #tpu.core_type<sc_vector_subcore>, window_params = [{transform_indices = #map}, {transform_indices = #map1}, {transform_indices = #map1}, {transform_indices = #map}]} {
    %mul3A = arith.constant 2 : i32
    %mul3A_0 = arith.muli %arg1, %mul3A : i32
    %add3A = arith.addi %mul3A_0, %arg0 : i32
    %lt3A = arith.constant 10 : i32
    %lt3A_1 = arith.cmpi slt, %add3A, %lt3A : i32
    %jit3A = arith.constant 196 : i32
    %jit3A_2 = arith.constant 195 : i32
    %select_n3A = arith.select %lt3A_1, %jit3A, %jit3A_2 : i32
    %mul3A_3 = arith.constant 195 : i32
    %mul3A_4 = arith.muli %add3A, %mul3A_3 : i32
    %min3A = arith.constant 10 : i32
    %min3A_5 = arith.minsi %add3A, %min3A : i32
    %add3A_6 = arith.addi %mul3A_4, %min3A_5 : i32
    tpu.enqueue_dma source(%arg4 : memref<100000xf32, #tpu.memory_space<hbm>>) target(%arg6 : memref<100000xf32, #tpu.memory_space<vmem>>) target_semaphore(%arg24 : memref<!tpu.dma_semaphore, #tpu.memory_space<semaphore_mem>>)
    %add3A_7 = arith.constant 0 : i32
    %add3A_8 = arith.addi %add3A_6, %add3A_7 : i32
    %mul3A_9 = arith.constant 1024 : i32
    %mul3A_10 = arith.muli %add3A_8, %mul3A_9 : i32
    %dma_start3A = arith.constant 0 : i32
    %dma_start3A_11 = tpu.memref_slice %arg2[%dma_start3A, %mul3A_10] : memref<2x6400000xi32, #tpu.memory_space<hbm>> -> memref<2x1024xi32, #tpu.memory_space<hbm>>
    %dma_start3A_12 = arith.constant 0 : i32
    %dma_start3A_13 = tpu.memref_slice %arg2[%dma_start3A_12, %mul3A_10] : memref<2x6400000xi32, #tpu.memory_space<hbm>> -> memref<2x1024xi32, #tpu.memory_space<hbm>>
    tpu.enqueue_dma source(%dma_start3A_13 : memref<2x1024xi32, #tpu.memory_space<hbm>>) target(%arg7 : memref<2x1024xi32, #tpu.memory_space<vmem>>) target_semaphore(%arg25 : memref<!tpu.dma_semaphore, #tpu.memory_space<semaphore_mem>>)
    %dma_start3A_14 = tpu.memref_slice %arg3[%mul3A_10] : memref<6400000xf32, #tpu.memory_space<hbm>> -> memref<1024xf32, #tpu.memory_space<hbm>>
    %dma_start3A_15 = tpu.memref_slice %arg3[%mul3A_10] : memref<6400000xf32, #tpu.memory_space<hbm>> -> memref<1024xf32, #tpu.memory_space<hbm>>
    tpu.enqueue_dma source(%dma_start3A_15 : memref<1024xf32, #tpu.memory_space<hbm>>) target(%arg11 : memref<1024xf32, #tpu.memory_space<vmem>>) target_semaphore(%arg25 : memref<!tpu.dma_semaphore, #tpu.memory_space<semaphore_mem>>)
    %add3A_16 = arith.constant 1 : i32
    %add3A_17 = arith.addi %add3A_6, %add3A_16 : i32
    %mul3A_18 = arith.constant 1024 : i32
    %mul3A_19 = arith.muli %add3A_17, %mul3A_18 : i32
    %dma_start3A_20 = arith.constant 0 : i32
    %dma_start3A_21 = tpu.memref_slice %arg2[%dma_start3A_20, %mul3A_19] : memref<2x6400000xi32, #tpu.memory_space<hbm>> -> memref<2x1024xi32, #tpu.memory_space<hbm>>
    %dma_start3A_22 = arith.constant 0 : i32
    %dma_start3A_23 = tpu.memref_slice %arg2[%dma_start3A_22, %mul3A_19] : memref<2x6400000xi32, #tpu.memory_space<hbm>> -> memref<2x1024xi32, #tpu.memory_space<hbm>>
    tpu.enqueue_dma source(%dma_start3A_23 : memref<2x1024xi32, #tpu.memory_space<hbm>>) target(%arg8 : memref<2x1024xi32, #tpu.memory_space<vmem>>) target_semaphore(%arg26 : memref<!tpu.dma_semaphore, #tpu.memory_space<semaphore_mem>>)
    %dma_start3A_24 = tpu.memref_slice %arg3[%mul3A_19] : memref<6400000xf32, #tpu.memory_space<hbm>> -> memref<1024xf32, #tpu.memory_space<hbm>>
    %dma_start3A_25 = tpu.memref_slice %arg3[%mul3A_19] : memref<6400000xf32, #tpu.memory_space<hbm>> -> memref<1024xf32, #tpu.memory_space<hbm>>
    tpu.enqueue_dma source(%dma_start3A_25 : memref<1024xf32, #tpu.memory_space<hbm>>) target(%arg12 : memref<1024xf32, #tpu.memory_space<vmem>>) target_semaphore(%arg26 : memref<!tpu.dma_semaphore, #tpu.memory_space<semaphore_mem>>)
    %add3A_26 = arith.constant 2 : i32
    %add3A_27 = arith.addi %add3A_6, %add3A_26 : i32
    %mul3A_28 = arith.constant 1024 : i32
    %mul3A_29 = arith.muli %add3A_27, %mul3A_28 : i32
    %dma_start3A_30 = arith.constant 0 : i32
    %dma_start3A_31 = tpu.memref_slice %arg2[%dma_start3A_30, %mul3A_29] : memref<2x6400000xi32, #tpu.memory_space<hbm>> -> memref<2x1024xi32, #tpu.memory_space<hbm>>
    %dma_start3A_32 = arith.constant 0 : i32
    %dma_start3A_33 = tpu.memref_slice %arg2[%dma_start3A_32, %mul3A_29] : memref<2x6400000xi32, #tpu.memory_space<hbm>> -> memref<2x1024xi32, #tpu.memory_space<hbm>>
    tpu.enqueue_dma source(%dma_start3A_33 : memref<2x1024xi32, #tpu.memory_space<hbm>>) target(%arg9 : memref<2x1024xi32, #tpu.memory_space<vmem>>) target_semaphore(%arg27 : memref<!tpu.dma_semaphore, #tpu.memory_space<semaphore_mem>>)
    %dma_start3A_34 = tpu.memref_slice %arg3[%mul3A_29] : memref<6400000xf32, #tpu.memory_space<hbm>> -> memref<1024xf32, #tpu.memory_space<hbm>>
    %dma_start3A_35 = tpu.memref_slice %arg3[%mul3A_29] : memref<6400000xf32, #tpu.memory_space<hbm>> -> memref<1024xf32, #tpu.memory_space<hbm>>
    tpu.enqueue_dma source(%dma_start3A_35 : memref<1024xf32, #tpu.memory_space<hbm>>) target(%arg13 : memref<1024xf32, #tpu.memory_space<vmem>>) target_semaphore(%arg27 : memref<!tpu.dma_semaphore, #tpu.memory_space<semaphore_mem>>)
    %add3A_36 = arith.constant 3 : i32
    %add3A_37 = arith.addi %add3A_6, %add3A_36 : i32
    %mul3A_38 = arith.constant 1024 : i32
    %mul3A_39 = arith.muli %add3A_37, %mul3A_38 : i32
    %dma_start3A_40 = arith.constant 0 : i32
    %dma_start3A_41 = tpu.memref_slice %arg2[%dma_start3A_40, %mul3A_39] : memref<2x6400000xi32, #tpu.memory_space<hbm>> -> memref<2x1024xi32, #tpu.memory_space<hbm>>
    %dma_start3A_42 = arith.constant 0 : i32
    %dma_start3A_43 = tpu.memref_slice %arg2[%dma_start3A_42, %mul3A_39] : memref<2x6400000xi32, #tpu.memory_space<hbm>> -> memref<2x1024xi32, #tpu.memory_space<hbm>>
    tpu.enqueue_dma source(%dma_start3A_43 : memref<2x1024xi32, #tpu.memory_space<hbm>>) target(%arg10 : memref<2x1024xi32, #tpu.memory_space<vmem>>) target_semaphore(%arg28 : memref<!tpu.dma_semaphore, #tpu.memory_space<semaphore_mem>>)
    %dma_start3A_44 = tpu.memref_slice %arg3[%mul3A_39] : memref<6400000xf32, #tpu.memory_space<hbm>> -> memref<1024xf32, #tpu.memory_space<hbm>>
    %dma_start3A_45 = tpu.memref_slice %arg3[%mul3A_39] : memref<6400000xf32, #tpu.memory_space<hbm>> -> memref<1024xf32, #tpu.memory_space<hbm>>
    tpu.enqueue_dma source(%dma_start3A_45 : memref<1024xf32, #tpu.memory_space<hbm>>) target(%arg14 : memref<1024xf32, #tpu.memory_space<vmem>>) target_semaphore(%arg28 : memref<!tpu.dma_semaphore, #tpu.memory_space<semaphore_mem>>)
    %parallel_loop3A = arith.constant 0 : i32
    %parallel_loop3A_46 = arith.constant 1568 : i32
    %parallel_loop3A_47 = arith.constant 16 : i32
    scf.for %parallel_loop3A_72 = %parallel_loop3A to %parallel_loop3A_46 step %parallel_loop3A_47  : i32 {
      %parallel_loop3A_73 = arith.constant 0.000000e+00 : f32
      %parallel_loop3A_74 = vector.broadcast %parallel_loop3A_73 : f32 to vector<16xf32>
      %parallel_loop3A_75 = arith.index_cast %parallel_loop3A_72 : i32 to index
      %parallel_loop3A_76 = tpu.vector_load %arg19[%parallel_loop3A_75] {strides = array<i32>} : memref<1024xf32, #tpu.memory_space<vmem>>, vector<16xf32>,
      tpu.vector_store %arg19[%parallel_loop3A_75], %parallel_loop3A_74 {strides = array<i32>} : memref<1024xf32, #tpu.memory_space<vmem>>, vector<16xf32>,
    } {sc.loop_unroll_factor = 8 : i64, sc.parallel_access}
    %mul3A_48 = arith.constant 6272 : i32
    %mul3A_49 = arith.muli %arg1, %mul3A_48 : i32
    %add3A_50 = arith.constant 0 : i32
    %add3A_51 = arith.addi %mul3A_49, %add3A_50 : i32
    "tpu.region"() ({
      %run_scoped3A = tpu.sem_alloc : memref<!tpu.dma_semaphore, #tpu.memory_space<semaphore_mem>>
      %dma_start3A_72 = arith.constant 0 : i32
      %dma_start3A_73 = tpu.memref_slice %arg19[%dma_start3A_72] : memref<1024xf32, #tpu.memory_space<vmem>> -> memref<1568xf32, #tpu.memory_space<vmem>>
      %dma_start3A_74 = tpu.memref_slice %arg23[%add3A_51] : memref<100352xf32, #tpu.memory_space<vmem_shared>> -> memref<1568xf32, #tpu.memory_space<vmem_shared>>
      %dma_start3A_75 = tpu.memref_slice %arg23[%add3A_51] : memref<100352xf32, #tpu.memory_space<vmem_shared>> -> memref<1568xf32, #tpu.memory_space<vmem_shared>>
      %dma_start3A_76 = arith.constant 0 : i32
      %dma_start3A_77 = tpu.memref_slice %arg19[%dma_start3A_76] : memref<1024xf32, #tpu.memory_space<vmem>> -> memref<1568xf32, #tpu.memory_space<vmem>>
      tpu.enqueue_dma source(%dma_start3A_77 : memref<1568xf32, #tpu.memory_space<vmem>>) target(%dma_start3A_75 : memref<1568xf32, #tpu.memory_space<vmem_shared>>) target_semaphore(%run_scoped3A : memref<!tpu.dma_semaphore, #tpu.memory_space<semaphore_mem>>)
      %dma_wait3A = arith.constant 0 : i32
      %dma_wait3A_78 = tpu.memref_slice %arg19[%dma_wait3A] : memref<1024xf32, #tpu.memory_space<vmem>> -> memref<1568xf32, #tpu.memory_space<vmem>>
      %dma_wait3A_79 = tpu.memref_slice %arg23[%add3A_51] : memref<100352xf32, #tpu.memory_space<vmem_shared>> -> memref<1568xf32, #tpu.memory_space<vmem_shared>>
      %dma_wait3A_80 = tpu.memref_slice %arg23[%add3A_51] : memref<100352xf32, #tpu.memory_space<vmem_shared>> -> memref<1568xf32, #tpu.memory_space<vmem_shared>>
      %dma_wait3A_81 = arith.constant 0 : i32
      %dma_wait3A_82 = tpu.memref_slice %arg19[%dma_wait3A_81] : memref<1024xf32, #tpu.memory_space<vmem>> -> memref<1568xf32, #tpu.memory_space<vmem>>
      tpu.wait_dma2 semaphore(%run_scoped3A : memref<!tpu.dma_semaphore, #tpu.memory_space<semaphore_mem>>) src(%dma_wait3A_82 : memref<1568xf32, #tpu.memory_space<vmem>>) dst(%dma_wait3A_80 : memref<1568xf32, #tpu.memory_space<vmem_shared>>)
      tpu.yield
    }) : () -> ()
    %mul3A_52 = arith.constant 6272 : i32
    %mul3A_53 = arith.muli %arg1, %mul3A_52 : i32
    %add3A_54 = arith.constant 1568 : i32
    %add3A_55 = arith.addi %mul3A_53, %add3A_54 : i32
    "tpu.region"() ({
      %run_scoped3A = tpu.sem_alloc : memref<!tpu.dma_semaphore, #tpu.memory_space<semaphore_mem>>
      %dma_start3A_72 = arith.constant 0 : i32
      %dma_start3A_73 = tpu.memref_slice %arg19[%dma_start3A_72] : memref<1024xf32, #tpu.memory_space<vmem>> -> memref<1568xf32, #tpu.memory_space<vmem>>
      %dma_start3A_74 = tpu.memref_slice %arg23[%add3A_55] : memref<100352xf32, #tpu.memory_space<vmem_shared>> -> memref<1568xf32, #tpu.memory_space<vmem_shared>>
      %dma_start3A_75 = tpu.memref_slice %arg23[%add3A_55] : memref<100352xf32, #tpu.memory_space<vmem_shared>> -> memref<1568xf32, #tpu.memory_space<vmem_shared>>
      %dma_start3A_76 = arith.constant 0 : i32
      %dma_start3A_77 = tpu.memref_slice %arg19[%dma_start3A_76] : memref<1024xf32, #tpu.memory_space<vmem>> -> memref<1568xf32, #tpu.memory_space<vmem>>
      tpu.enqueue_dma source(%dma_start3A_77 : memref<1568xf32, #tpu.memory_space<vmem>>) target(%dma_start3A_75 : memref<1568xf32, #tpu.memory_space<vmem_shared>>) target_semaphore(%run_scoped3A : memref<!tpu.dma_semaphore, #tpu.memory_space<semaphore_mem>>)
      %dma_wait3A = arith.constant 0 : i32
      %dma_wait3A_78 = tpu.memref_slice %arg19[%dma_wait3A] : memref<1024xf32, #tpu.memory_space<vmem>> -> memref<1568xf32, #tpu.memory_space<vmem>>
      %dma_wait3A_79 = tpu.memref_slice %arg23[%add3A_55] : memref<100352xf32, #tpu.memory_space<vmem_shared>> -> memref<1568xf32, #tpu.memory_space<vmem_shared>>
      %dma_wait3A_80 = tpu.memref_slice %arg23[%add3A_55] : memref<100352xf32, #tpu.memory_space<vmem_shared>> -> memref<1568xf32, #tpu.memory_space<vmem_shared>>
      %dma_wait3A_81 = arith.constant 0 : i32
      %dma_wait3A_82 = tpu.memref_slice %arg19[%dma_wait3A_81] : memref<1024xf32, #tpu.memory_space<vmem>> -> memref<1568xf32, #tpu.memory_space<vmem>>
      tpu.wait_dma2 semaphore(%run_scoped3A : memref<!tpu.dma_semaphore, #tpu.memory_space<semaphore_mem>>) src(%dma_wait3A_82 : memref<1568xf32, #tpu.memory_space<vmem>>) dst(%dma_wait3A_80 : memref<1568xf32, #tpu.memory_space<vmem_shared>>)
      tpu.yield
    }) : () -> ()
    %mul3A_56 = arith.constant 6272 : i32
    %mul3A_57 = arith.muli %arg1, %mul3A_56 : i32
    %add3A_58 = arith.constant 3136 : i32
    %add3A_59 = arith.addi %mul3A_57, %add3A_58 : i32
    "tpu.region"() ({
      %run_scoped3A = tpu.sem_alloc : memref<!tpu.dma_semaphore, #tpu.memory_space<semaphore_mem>>
      %dma_start3A_72 = arith.constant 0 : i32
      %dma_start3A_73 = tpu.memref_slice %arg19[%dma_start3A_72] : memref<1024xf32, #tpu.memory_space<vmem>> -> memref<1568xf32, #tpu.memory_space<vmem>>
      %dma_start3A_74 = tpu.memref_slice %arg23[%add3A_59] : memref<100352xf32, #tpu.memory_space<vmem_shared>> -> memref<1568xf32, #tpu.memory_space<vmem_shared>>
      %dma_start3A_75 = tpu.memref_slice %arg23[%add3A_59] : memref<100352xf32, #tpu.memory_space<vmem_shared>> -> memref<1568xf32, #tpu.memory_space<vmem_shared>>
      %dma_start3A_76 = arith.constant 0 : i32
      %dma_start3A_77 = tpu.memref_slice %arg19[%dma_start3A_76] : memref<1024xf32, #tpu.memory_space<vmem>> -> memref<1568xf32, #tpu.memory_space<vmem>>
      tpu.enqueue_dma source(%dma_start3A_77 : memref<1568xf32, #tpu.memory_space<vmem>>) target(%dma_start3A_75 : memref<1568xf32, #tpu.memory_space<vmem_shared>>) target_semaphore(%run_scoped3A : memref<!tpu.dma_semaphore, #tpu.memory_space<semaphore_mem>>)
      %dma_wait3A = arith.constant 0 : i32
      %dma_wait3A_78 = tpu.memref_slice %arg19[%dma_wait3A] : memref<1024xf32, #tpu.memory_space<vmem>> -> memref<1568xf32, #tpu.memory_space<vmem>>
      %dma_wait3A_79 = tpu.memref_slice %arg23[%add3A_59] : memref<100352xf32, #tpu.memory_space<vmem_shared>> -> memref<1568xf32, #tpu.memory_space<vmem_shared>>
      %dma_wait3A_80 = tpu.memref_slice %arg23[%add3A_59] : memref<100352xf32, #tpu.memory_space<vmem_shared>> -> memref<1568xf32, #tpu.memory_space<vmem_shared>>
      %dma_wait3A_81 = arith.constant 0 : i32
      %dma_wait3A_82 = tpu.memref_slice %arg19[%dma_wait3A_81] : memref<1024xf32, #tpu.memory_space<vmem>> -> memref<1568xf32, #tpu.memory_space<vmem>>
      tpu.wait_dma2 semaphore(%run_scoped3A : memref<!tpu.dma_semaphore, #tpu.memory_space<semaphore_mem>>) src(%dma_wait3A_82 : memref<1568xf32, #tpu.memory_space<vmem>>) dst(%dma_wait3A_80 : memref<1568xf32, #tpu.memory_space<vmem_shared>>)
      tpu.yield
    }) : () -> ()
    %mul3A_60 = arith.constant 6272 : i32
    %mul3A_61 = arith.muli %arg1, %mul3A_60 : i32
    %add3A_62 = arith.constant 4704 : i32
    %add3A_63 = arith.addi %mul3A_61, %add3A_62 : i32
    "tpu.region"() ({
      %run_scoped3A = tpu.sem_alloc : memref<!tpu.dma_semaphore, #tpu.memory_space<semaphore_mem>>
      %dma_start3A_72 = arith.constant 0 : i32
      %dma_start3A_73 = tpu.memref_slice %arg19[%dma_start3A_72] : memref<1024xf32, #tpu.memory_space<vmem>> -> memref<1568xf32, #tpu.memory_space<vmem>>
      %dma_start3A_74 = tpu.memref_slice %arg23[%add3A_63] : memref<100352xf32, #tpu.memory_space<vmem_shared>> -> memref<1568xf32, #tpu.memory_space<vmem_shared>>
      %dma_start3A_75 = tpu.memref_slice %arg23[%add3A_63] : memref<100352xf32, #tpu.memory_space<vmem_shared>> -> memref<1568xf32, #tpu.memory_space<vmem_shared>>
      %dma_start3A_76 = arith.constant 0 : i32
      %dma_start3A_77 = tpu.memref_slice %arg19[%dma_start3A_76] : memref<1024xf32, #tpu.memory_space<vmem>> -> memref<1568xf32, #tpu.memory_space<vmem>>
      tpu.enqueue_dma source(%dma_start3A_77 : memref<1568xf32, #tpu.memory_space<vmem>>) target(%dma_start3A_75 : memref<1568xf32, #tpu.memory_space<vmem_shared>>) target_semaphore(%run_scoped3A : memref<!tpu.dma_semaphore, #tpu.memory_space<semaphore_mem>>)
      %dma_wait3A = arith.constant 0 : i32
      %dma_wait3A_78 = tpu.memref_slice %arg19[%dma_wait3A] : memref<1024xf32, #tpu.memory_space<vmem>> -> memref<1568xf32, #tpu.memory_space<vmem>>
      %dma_wait3A_79 = tpu.memref_slice %arg23[%add3A_63] : memref<100352xf32, #tpu.memory_space<vmem_shared>> -> memref<1568xf32, #tpu.memory_space<vmem_shared>>
      %dma_wait3A_80 = tpu.memref_slice %arg23[%add3A_63] : memref<100352xf32, #tpu.memory_space<vmem_shared>> -> memref<1568xf32, #tpu.memory_space<vmem_shared>>
      %dma_wait3A_81 = arith.constant 0 : i32
      %dma_wait3A_82 = tpu.memref_slice %arg19[%dma_wait3A_81] : memref<1024xf32, #tpu.memory_space<vmem>> -> memref<1568xf32, #tpu.memory_space<vmem>>
      tpu.wait_dma2 semaphore(%run_scoped3A : memref<!tpu.dma_semaphore, #tpu.memory_space<semaphore_mem>>) src(%dma_wait3A_82 : memref<1568xf32, #tpu.memory_space<vmem>>) dst(%dma_wait3A_80 : memref<1568xf32, #tpu.memory_space<vmem_shared>>)
      tpu.yield
    }) : () -> ()
    %barrier3A = arith.constant 0 : index
    tpu.barrier barrier_id(%barrier3A)
    tpu.wait_dma2 semaphore(%arg24 : memref<!tpu.dma_semaphore, #tpu.memory_space<semaphore_mem>>) src(%arg4 : memref<100000xf32, #tpu.memory_space<hbm>>) dst(%arg6 : memref<100000xf32, #tpu.memory_space<vmem>>)
    %scan3A = arith.constant 0 : i32
    %scan3A_64 = arith.constant 0 : i32
    %scan3A_65 = arith.constant 50 : i32
    %scan3A_66 = arith.addi %scan3A_64, %scan3A_65 : i32
    %scan3A_67 = arith.constant 1 : i32
    scf.for %scan3A_72 = %scan3A_64 to %scan3A_66 step %scan3A_67  : i32 {
      %mul3A_73 = arith.constant 4 : i32
      %mul3A_74 = arith.muli %scan3A_72, %mul3A_73 : i32
      %add3A_75 = arith.constant 0 : i32
      %add3A_76 = arith.addi %mul3A_74, %add3A_75 : i32
      %ge3A = arith.constant 4 : i32
      %ge3A_77 = arith.cmpi sge, %add3A_76, %ge3A : i32
      %add3A_78 = arith.constant 4 : i32
      %add3A_79 = arith.addi %select_n3A, %add3A_78 : i32
      %lt3A_80 = arith.cmpi slt, %add3A_76, %add3A_79 : i32
      %and3A = arith.andi %ge3A_77, %lt3A_80 : i1
      %convert_element_type3A = arith.extui %and3A : i1 to i32
      %cond3A = arith.constant 0 : i32
      %cond3A_81 = arith.cmpi ne, %convert_element_type3A, %cond3A : i32
      scf.if %cond3A_81 {
        %dma_wait3A = arith.constant 0 : i32
        %dma_wait3A_161 = tpu.memref_slice %arg23[%dma_wait3A] : memref<100352xf32, #tpu.memory_space<vmem_shared>> -> memref<100352xf32, #tpu.memory_space<vmem_shared>>
        tpu.wait_indirect_dma semaphore(%arg29 : memref<!tpu.dma_semaphore, #tpu.memory_space<semaphore_mem>>) src(%arg19 : memref<1024xf32, #tpu.memory_space<vmem>>) dst(%dma_wait3A_161 : memref<100352xf32, #tpu.memory_space<vmem_shared>>)
      } else {
      }
      %lt3A_82 = arith.cmpi slt, %add3A_76, %select_n3A : i32
      %convert_element_type3A_83 = arith.extui %lt3A_82 : i1 to i32
      %cond3A_84 = arith.constant 0 : i32
      %cond3A_85 = arith.cmpi ne, %convert_element_type3A_83, %cond3A_84 : i32
      scf.if %cond3A_85 {
        %dma_wait3A = arith.constant 0 : i32
        %dma_wait3A_161 = arith.constant 0 : i32
        %dma_wait3A_162 = tpu.memref_slice %arg2[%dma_wait3A, %dma_wait3A_161] : memref<2x6400000xi32, #tpu.memory_space<hbm>> -> memref<2x1024xi32, #tpu.memory_space<hbm>>
        %dma_wait3A_163 = arith.constant 0 : i32
        %dma_wait3A_164 = arith.constant 0 : i32
        %dma_wait3A_165 = tpu.memref_slice %arg2[%dma_wait3A_163, %dma_wait3A_164] : memref<2x6400000xi32, #tpu.memory_space<hbm>> -> memref<2x1024xi32, #tpu.memory_space<hbm>>
        tpu.wait_dma2 semaphore(%arg25 : memref<!tpu.dma_semaphore, #tpu.memory_space<semaphore_mem>>) src(%dma_wait3A_165 : memref<2x1024xi32, #tpu.memory_space<hbm>>) dst(%arg7 : memref<2x1024xi32, #tpu.memory_space<vmem>>)
        %dma_wait3A_166 = arith.constant 0 : i32
        %dma_wait3A_167 = tpu.memref_slice %arg3[%dma_wait3A_166] : memref<6400000xf32, #tpu.memory_space<hbm>> -> memref<1024xf32, #tpu.memory_space<hbm>>
        %dma_wait3A_168 = arith.constant 0 : i32
        %dma_wait3A_169 = tpu.memref_slice %arg3[%dma_wait3A_168] : memref<6400000xf32, #tpu.memory_space<hbm>> -> memref<1024xf32, #tpu.memory_space<hbm>>
        tpu.wait_dma2 semaphore(%arg25 : memref<!tpu.dma_semaphore, #tpu.memory_space<semaphore_mem>>) src(%dma_wait3A_169 : memref<1024xf32, #tpu.memory_space<hbm>>) dst(%arg11 : memref<1024xf32, #tpu.memory_space<vmem>>)
        %parallel_loop3A_170 = arith.constant 0 : i32
        %parallel_loop3A_171 = arith.constant 1024 : i32
        %parallel_loop3A_172 = arith.constant 16 : i32
        scf.for %parallel_loop3A_175 = %parallel_loop3A_170 to %parallel_loop3A_171 step %parallel_loop3A_172  : i32 {
          %parallel_loop3A_176 = arith.constant 0 : i32
          %parallel_loop3A_177 = arith.index_cast %parallel_loop3A_176 : i32 to index
          %parallel_loop3A_178 = arith.index_cast %parallel_loop3A_175 : i32 to index
          %parallel_loop3A_179 = tpu.vector_load %arg7[%parallel_loop3A_177, %parallel_loop3A_178] {strides = array<i32>} : memref<2x1024xi32, #tpu.memory_space<vmem>>, vector<16xi32>,
          %parallel_loop3A_180 = tpu.vector_load_idx %arg6[%parallel_loop3A_179] : memref<100000xf32, #tpu.memory_space<vmem>>[vector<16xi32>], vector<16xf32>,
          %parallel_loop3A_181 = arith.index_cast %parallel_loop3A_175 : i32 to index
          %parallel_loop3A_182 = tpu.vector_load %arg11[%parallel_loop3A_181] {strides = array<i32>} : memref<1024xf32, #tpu.memory_space<vmem>>, vector<16xf32>,
          %parallel_loop3A_183 = arith.constant 0.000000e+00 : f32
          %parallel_loop3A_184 = vector.broadcast %parallel_loop3A_183 : f32 to vector<16xf32>
          %parallel_loop3A_185 = arith.maximumf %parallel_loop3A_180, %parallel_loop3A_184 : vector<16xf32>
          %parallel_loop3A_186 = arith.mulf %parallel_loop3A_182, %parallel_loop3A_185 : vector<16xf32>
          %parallel_loop3A_187 = arith.index_cast %parallel_loop3A_175 : i32 to index
          %parallel_loop3A_188 = tpu.vector_load %arg19[%parallel_loop3A_187] {strides = array<i32>} : memref<1024xf32, #tpu.memory_space<vmem>>, vector<16xf32>,
          tpu.vector_store %arg19[%parallel_loop3A_187], %parallel_loop3A_186 {strides = array<i32>} : memref<1024xf32, #tpu.memory_space<vmem>>, vector<16xf32>,
          %parallel_loop3A_189 = arith.constant 1 : i32
          %parallel_loop3A_190 = arith.index_cast %parallel_loop3A_189 : i32 to index
          %parallel_loop3A_191 = arith.index_cast %parallel_loop3A_175 : i32 to index
          %parallel_loop3A_192 = tpu.vector_load %arg7[%parallel_loop3A_190, %parallel_loop3A_191] {strides = array<i32>} : memref<2x1024xi32, #tpu.memory_space<vmem>>, vector<16xi32>,
          %parallel_loop3A_193 = arith.index_cast %parallel_loop3A_175 : i32 to index
          %parallel_loop3A_194 = tpu.vector_load %arg15[%parallel_loop3A_193] {strides = array<i32>} : memref<1024xi32, #tpu.memory_space<vmem>>, vector<16xi32>,
          tpu.vector_store %arg15[%parallel_loop3A_193], %parallel_loop3A_192 {strides = array<i32>} : memref<1024xi32, #tpu.memory_space<vmem>>, vector<16xi32>,
        } {sc.loop_unroll_factor = 16 : i64, sc.parallel_access}
        %dma_start3A_173 = arith.constant 0 : i32
        %dma_start3A_174 = tpu.memref_slice %arg23[%dma_start3A_173] : memref<100352xf32, #tpu.memory_space<vmem_shared>> -> memref<100352xf32, #tpu.memory_space<vmem_shared>>
        tpu.enqueue_indirect_dma source(%arg19 : memref<1024xf32, #tpu.memory_space<vmem>>) target(%dma_start3A_174 : memref<100352xf32, #tpu.memory_space<vmem_shared>>) offsets(%arg15 : memref<1024xi32, #tpu.memory_space<vmem>>) semaphore(%arg29 : memref<!tpu.dma_semaphore, #tpu.memory_space<semaphore_mem>>) {add = true}
      } else {
      }
      %add3A_86 = arith.constant 4 : i32
      %add3A_87 = arith.addi %add3A_76, %add3A_86 : i32
      %lt3A_88 = arith.cmpi slt, %add3A_87, %select_n3A : i32
      %convert_element_type3A_89 = arith.extui %lt3A_88 : i1 to i32
      %cond3A_90 = arith.constant 0 : i32
      %cond3A_91 = arith.cmpi ne, %convert_element_type3A_89, %cond3A_90 : i32
      scf.if %cond3A_91 {
        %add3A_161 = arith.constant 4 : i32
        %add3A_162 = arith.addi %add3A_76, %add3A_161 : i32
        %add3A_163 = arith.addi %add3A_6, %add3A_162 : i32
        %mul3A_164 = arith.constant 1024 : i32
        %mul3A_165 = arith.muli %add3A_163, %mul3A_164 : i32
        %dma_start3A_166 = arith.constant 0 : i32
        %dma_start3A_167 = tpu.memref_slice %arg2[%dma_start3A_166, %mul3A_165] : memref<2x6400000xi32, #tpu.memory_space<hbm>> -> memref<2x1024xi32, #tpu.memory_space<hbm>>
        %dma_start3A_168 = arith.constant 0 : i32
        %dma_start3A_169 = tpu.memref_slice %arg2[%dma_start3A_168, %mul3A_165] : memref<2x6400000xi32, #tpu.memory_space<hbm>> -> memref<2x1024xi32, #tpu.memory_space<hbm>>
        tpu.enqueue_dma source(%dma_start3A_169 : memref<2x1024xi32, #tpu.memory_space<hbm>>) target(%arg7 : memref<2x1024xi32, #tpu.memory_space<vmem>>) target_semaphore(%arg25 : memref<!tpu.dma_semaphore, #tpu.memory_space<semaphore_mem>>)
        %dma_start3A_170 = tpu.memref_slice %arg3[%mul3A_165] : memref<6400000xf32, #tpu.memory_space<hbm>> -> memref<1024xf32, #tpu.memory_space<hbm>>
        %dma_start3A_171 = tpu.memref_slice %arg3[%mul3A_165] : memref<6400000xf32, #tpu.memory_space<hbm>> -> memref<1024xf32, #tpu.memory_space<hbm>>
        tpu.enqueue_dma source(%dma_start3A_171 : memref<1024xf32, #tpu.memory_space<hbm>>) target(%arg11 : memref<1024xf32, #tpu.memory_space<vmem>>) target_semaphore(%arg25 : memref<!tpu.dma_semaphore, #tpu.memory_space<semaphore_mem>>)
      } else {
      }
      %mul3A_92 = arith.constant 4 : i32
      %mul3A_93 = arith.muli %scan3A_72, %mul3A_92 : i32
      %add3A_94 = arith.constant 1 : i32
      %add3A_95 = arith.addi %mul3A_93, %add3A_94 : i32
      %ge3A_96 = arith.constant 4 : i32
      %ge3A_97 = arith.cmpi sge, %add3A_95, %ge3A_96 : i32
      %add3A_98 = arith.constant 4 : i32
      %add3A_99 = arith.addi %select_n3A, %add3A_98 : i32
      %lt3A_100 = arith.cmpi slt, %add3A_95, %add3A_99 : i32
      %and3A_101 = arith.andi %ge3A_97, %lt3A_100 : i1
      %convert_element_type3A_102 = arith.extui %and3A_101 : i1 to i32
      %cond3A_103 = arith.constant 0 : i32
      %cond3A_104 = arith.cmpi ne, %convert_element_type3A_102, %cond3A_103 : i32
      scf.if %cond3A_104 {
        %dma_wait3A = arith.constant 0 : i32
        %dma_wait3A_161 = tpu.memref_slice %arg23[%dma_wait3A] : memref<100352xf32, #tpu.memory_space<vmem_shared>> -> memref<100352xf32, #tpu.memory_space<vmem_shared>>
        tpu.wait_indirect_dma semaphore(%arg30 : memref<!tpu.dma_semaphore, #tpu.memory_space<semaphore_mem>>) src(%arg20 : memref<1024xf32, #tpu.memory_space<vmem>>) dst(%dma_wait3A_161 : memref<100352xf32, #tpu.memory_space<vmem_shared>>)
      } else {
      }
      %lt3A_105 = arith.cmpi slt, %add3A_95, %select_n3A : i32
      %convert_element_type3A_106 = arith.extui %lt3A_105 : i1 to i32
      %cond3A_107 = arith.constant 0 : i32
      %cond3A_108 = arith.cmpi ne, %convert_element_type3A_106, %cond3A_107 : i32
      scf.if %cond3A_108 {
        %dma_wait3A = arith.constant 0 : i32
        %dma_wait3A_161 = arith.constant 0 : i32
        %dma_wait3A_162 = tpu.memref_slice %arg2[%dma_wait3A, %dma_wait3A_161] : memref<2x6400000xi32, #tpu.memory_space<hbm>> -> memref<2x1024xi32, #tpu.memory_space<hbm>>
        %dma_wait3A_163 = arith.constant 0 : i32
        %dma_wait3A_164 = arith.constant 0 : i32
        %dma_wait3A_165 = tpu.memref_slice %arg2[%dma_wait3A_163, %dma_wait3A_164] : memref<2x6400000xi32, #tpu.memory_space<hbm>> -> memref<2x1024xi32, #tpu.memory_space<hbm>>
        tpu.wait_dma2 semaphore(%arg26 : memref<!tpu.dma_semaphore, #tpu.memory_space<semaphore_mem>>) src(%dma_wait3A_165 : memref<2x1024xi32, #tpu.memory_space<hbm>>) dst(%arg8 : memref<2x1024xi32, #tpu.memory_space<vmem>>)
        %dma_wait3A_166 = arith.constant 0 : i32
        %dma_wait3A_167 = tpu.memref_slice %arg3[%dma_wait3A_166] : memref<6400000xf32, #tpu.memory_space<hbm>> -> memref<1024xf32, #tpu.memory_space<hbm>>
        %dma_wait3A_168 = arith.constant 0 : i32
        %dma_wait3A_169 = tpu.memref_slice %arg3[%dma_wait3A_168] : memref<6400000xf32, #tpu.memory_space<hbm>> -> memref<1024xf32, #tpu.memory_space<hbm>>
        tpu.wait_dma2 semaphore(%arg26 : memref<!tpu.dma_semaphore, #tpu.memory_space<semaphore_mem>>) src(%dma_wait3A_169 : memref<1024xf32, #tpu.memory_space<hbm>>) dst(%arg12 : memref<1024xf32, #tpu.memory_space<vmem>>)
        %parallel_loop3A_170 = arith.constant 0 : i32
        %parallel_loop3A_171 = arith.constant 1024 : i32
        %parallel_loop3A_172 = arith.constant 16 : i32
        scf.for %parallel_loop3A_175 = %parallel_loop3A_170 to %parallel_loop3A_171 step %parallel_loop3A_172  : i32 {
          %parallel_loop3A_176 = arith.constant 0 : i32
          %parallel_loop3A_177 = arith.index_cast %parallel_loop3A_176 : i32 to index
          %parallel_loop3A_178 = arith.index_cast %parallel_loop3A_175 : i32 to index
          %parallel_loop3A_179 = tpu.vector_load %arg8[%parallel_loop3A_177, %parallel_loop3A_178] {strides = array<i32>} : memref<2x1024xi32, #tpu.memory_space<vmem>>, vector<16xi32>,
          %parallel_loop3A_180 = tpu.vector_load_idx %arg6[%parallel_loop3A_179] : memref<100000xf32, #tpu.memory_space<vmem>>[vector<16xi32>], vector<16xf32>,
          %parallel_loop3A_181 = arith.index_cast %parallel_loop3A_175 : i32 to index
          %parallel_loop3A_182 = tpu.vector_load %arg12[%parallel_loop3A_181] {strides = array<i32>} : memref<1024xf32, #tpu.memory_space<vmem>>, vector<16xf32>,
          %parallel_loop3A_183 = arith.constant 0.000000e+00 : f32
          %parallel_loop3A_184 = vector.broadcast %parallel_loop3A_183 : f32 to vector<16xf32>
          %parallel_loop3A_185 = arith.maximumf %parallel_loop3A_180, %parallel_loop3A_184 : vector<16xf32>
          %parallel_loop3A_186 = arith.mulf %parallel_loop3A_182, %parallel_loop3A_185 : vector<16xf32>
          %parallel_loop3A_187 = arith.index_cast %parallel_loop3A_175 : i32 to index
          %parallel_loop3A_188 = tpu.vector_load %arg20[%parallel_loop3A_187] {strides = array<i32>} : memref<1024xf32, #tpu.memory_space<vmem>>, vector<16xf32>,
          tpu.vector_store %arg20[%parallel_loop3A_187], %parallel_loop3A_186 {strides = array<i32>} : memref<1024xf32, #tpu.memory_space<vmem>>, vector<16xf32>,
          %parallel_loop3A_189 = arith.constant 1 : i32
          %parallel_loop3A_190 = arith.index_cast %parallel_loop3A_189 : i32 to index
          %parallel_loop3A_191 = arith.index_cast %parallel_loop3A_175 : i32 to index
          %parallel_loop3A_192 = tpu.vector_load %arg8[%parallel_loop3A_190, %parallel_loop3A_191] {strides = array<i32>} : memref<2x1024xi32, #tpu.memory_space<vmem>>, vector<16xi32>,
          %parallel_loop3A_193 = arith.index_cast %parallel_loop3A_175 : i32 to index
          %parallel_loop3A_194 = tpu.vector_load %arg16[%parallel_loop3A_193] {strides = array<i32>} : memref<1024xi32, #tpu.memory_space<vmem>>, vector<16xi32>,
          tpu.vector_store %arg16[%parallel_loop3A_193], %parallel_loop3A_192 {strides = array<i32>} : memref<1024xi32, #tpu.memory_space<vmem>>, vector<16xi32>,
        } {sc.loop_unroll_factor = 16 : i64, sc.parallel_access}
        %dma_start3A_173 = arith.constant 0 : i32
        %dma_start3A_174 = tpu.memref_slice %arg23[%dma_start3A_173] : memref<100352xf32, #tpu.memory_space<vmem_shared>> -> memref<100352xf32, #tpu.memory_space<vmem_shared>>
        tpu.enqueue_indirect_dma source(%arg20 : memref<1024xf32, #tpu.memory_space<vmem>>) target(%dma_start3A_174 : memref<100352xf32, #tpu.memory_space<vmem_shared>>) offsets(%arg16 : memref<1024xi32, #tpu.memory_space<vmem>>) semaphore(%arg30 : memref<!tpu.dma_semaphore, #tpu.memory_space<semaphore_mem>>) {add = true}
      } else {
      }
      %add3A_109 = arith.constant 4 : i32
      %add3A_110 = arith.addi %add3A_95, %add3A_109 : i32
      %lt3A_111 = arith.cmpi slt, %add3A_110, %select_n3A : i32
      %convert_element_type3A_112 = arith.extui %lt3A_111 : i1 to i32
      %cond3A_113 = arith.constant 0 : i32
      %cond3A_114 = arith.cmpi ne, %convert_element_type3A_112, %cond3A_113 : i32
      scf.if %cond3A_114 {
        %add3A_161 = arith.constant 4 : i32
        %add3A_162 = arith.addi %add3A_95, %add3A_161 : i32
        %add3A_163 = arith.addi %add3A_6, %add3A_162 : i32
        %mul3A_164 = arith.constant 1024 : i32
        %mul3A_165 = arith.muli %add3A_163, %mul3A_164 : i32
        %dma_start3A_166 = arith.constant 0 : i32
        %dma_start3A_167 = tpu.memref_slice %arg2[%dma_start3A_166, %mul3A_165] : memref<2x6400000xi32, #tpu.memory_space<hbm>> -> memref<2x1024xi32, #tpu.memory_space<hbm>>
        %dma_start3A_168 = arith.constant 0 : i32
        %dma_start3A_169 = tpu.memref_slice %arg2[%dma_start3A_168, %mul3A_165] : memref<2x6400000xi32, #tpu.memory_space<hbm>> -> memref<2x1024xi32, #tpu.memory_space<hbm>>
        tpu.enqueue_dma source(%dma_start3A_169 : memref<2x1024xi32, #tpu.memory_space<hbm>>) target(%arg8 : memref<2x1024xi32, #tpu.memory_space<vmem>>) target_semaphore(%arg26 : memref<!tpu.dma_semaphore, #tpu.memory_space<semaphore_mem>>)
        %dma_start3A_170 = tpu.memref_slice %arg3[%mul3A_165] : memref<6400000xf32, #tpu.memory_space<hbm>> -> memref<1024xf32, #tpu.memory_space<hbm>>
        %dma_start3A_171 = tpu.memref_slice %arg3[%mul3A_165] : memref<6400000xf32, #tpu.memory_space<hbm>> -> memref<1024xf32, #tpu.memory_space<hbm>>
        tpu.enqueue_dma source(%dma_start3A_171 : memref<1024xf32, #tpu.memory_space<hbm>>) target(%arg12 : memref<1024xf32, #tpu.memory_space<vmem>>) target_semaphore(%arg26 : memref<!tpu.dma_semaphore, #tpu.memory_space<semaphore_mem>>)
      } else {
      }
      %mul3A_115 = arith.constant 4 : i32
      %mul3A_116 = arith.muli %scan3A_72, %mul3A_115 : i32
      %add3A_117 = arith.constant 2 : i32
      %add3A_118 = arith.addi %mul3A_116, %add3A_117 : i32
      %ge3A_119 = arith.constant 4 : i32
      %ge3A_120 = arith.cmpi sge, %add3A_118, %ge3A_119 : i32
      %add3A_121 = arith.constant 4 : i32
      %add3A_122 = arith.addi %select_n3A, %add3A_121 : i32
      %lt3A_123 = arith.cmpi slt, %add3A_118, %add3A_122 : i32
      %and3A_124 = arith.andi %ge3A_120, %lt3A_123 : i1
      %convert_element_type3A_125 = arith.extui %and3A_124 : i1 to i32
      %cond3A_126 = arith.constant 0 : i32
      %cond3A_127 = arith.cmpi ne, %convert_element_type3A_125, %cond3A_126 : i32
      scf.if %cond3A_127 {
        %dma_wait3A = arith.constant 0 : i32
        %dma_wait3A_161 = tpu.memref_slice %arg23[%dma_wait3A] : memref<100352xf32, #tpu.memory_space<vmem_shared>> -> memref<100352xf32, #tpu.memory_space<vmem_shared>>
        tpu.wait_indirect_dma semaphore(%arg31 : memref<!tpu.dma_semaphore, #tpu.memory_space<semaphore_mem>>) src(%arg21 : memref<1024xf32, #tpu.memory_space<vmem>>) dst(%dma_wait3A_161 : memref<100352xf32, #tpu.memory_space<vmem_shared>>)
      } else {
      }
      %lt3A_128 = arith.cmpi slt, %add3A_118, %select_n3A : i32
      %convert_element_type3A_129 = arith.extui %lt3A_128 : i1 to i32
      %cond3A_130 = arith.constant 0 : i32
      %cond3A_131 = arith.cmpi ne, %convert_element_type3A_129, %cond3A_130 : i32
      scf.if %cond3A_131 {
        %dma_wait3A = arith.constant 0 : i32
        %dma_wait3A_161 = arith.constant 0 : i32
        %dma_wait3A_162 = tpu.memref_slice %arg2[%dma_wait3A, %dma_wait3A_161] : memref<2x6400000xi32, #tpu.memory_space<hbm>> -> memref<2x1024xi32, #tpu.memory_space<hbm>>
        %dma_wait3A_163 = arith.constant 0 : i32
        %dma_wait3A_164 = arith.constant 0 : i32
        %dma_wait3A_165 = tpu.memref_slice %arg2[%dma_wait3A_163, %dma_wait3A_164] : memref<2x6400000xi32, #tpu.memory_space<hbm>> -> memref<2x1024xi32, #tpu.memory_space<hbm>>
        tpu.wait_dma2 semaphore(%arg27 : memref<!tpu.dma_semaphore, #tpu.memory_space<semaphore_mem>>) src(%dma_wait3A_165 : memref<2x1024xi32, #tpu.memory_space<hbm>>) dst(%arg9 : memref<2x1024xi32, #tpu.memory_space<vmem>>)
        %dma_wait3A_166 = arith.constant 0 : i32
        %dma_wait3A_167 = tpu.memref_slice %arg3[%dma_wait3A_166] : memref<6400000xf32, #tpu.memory_space<hbm>> -> memref<1024xf32, #tpu.memory_space<hbm>>
        %dma_wait3A_168 = arith.constant 0 : i32
        %dma_wait3A_169 = tpu.memref_slice %arg3[%dma_wait3A_168] : memref<6400000xf32, #tpu.memory_space<hbm>> -> memref<1024xf32, #tpu.memory_space<hbm>>
        tpu.wait_dma2 semaphore(%arg27 : memref<!tpu.dma_semaphore, #tpu.memory_space<semaphore_mem>>) src(%dma_wait3A_169 : memref<1024xf32, #tpu.memory_space<hbm>>) dst(%arg13 : memref<1024xf32, #tpu.memory_space<vmem>>)
        %parallel_loop3A_170 = arith.constant 0 : i32
        %parallel_loop3A_171 = arith.constant 1024 : i32
        %parallel_loop3A_172 = arith.constant 16 : i32
        scf.for %parallel_loop3A_175 = %parallel_loop3A_170 to %parallel_loop3A_171 step %parallel_loop3A_172  : i32 {
          %parallel_loop3A_176 = arith.constant 0 : i32
          %parallel_loop3A_177 = arith.index_cast %parallel_loop3A_176 : i32 to index
          %parallel_loop3A_178 = arith.index_cast %parallel_loop3A_175 : i32 to index
          %parallel_loop3A_179 = tpu.vector_load %arg9[%parallel_loop3A_177, %parallel_loop3A_178] {strides = array<i32>} : memref<2x1024xi32, #tpu.memory_space<vmem>>, vector<16xi32>,
          %parallel_loop3A_180 = tpu.vector_load_idx %arg6[%parallel_loop3A_179] : memref<100000xf32, #tpu.memory_space<vmem>>[vector<16xi32>], vector<16xf32>,
          %parallel_loop3A_181 = arith.index_cast %parallel_loop3A_175 : i32 to index
          %parallel_loop3A_182 = tpu.vector_load %arg13[%parallel_loop3A_181] {strides = array<i32>} : memref<1024xf32, #tpu.memory_space<vmem>>, vector<16xf32>,
          %parallel_loop3A_183 = arith.constant 0.000000e+00 : f32
          %parallel_loop3A_184 = vector.broadcast %parallel_loop3A_183 : f32 to vector<16xf32>
          %parallel_loop3A_185 = arith.maximumf %parallel_loop3A_180, %parallel_loop3A_184 : vector<16xf32>
          %parallel_loop3A_186 = arith.mulf %parallel_loop3A_182, %parallel_loop3A_185 : vector<16xf32>
          %parallel_loop3A_187 = arith.index_cast %parallel_loop3A_175 : i32 to index
          %parallel_loop3A_188 = tpu.vector_load %arg21[%parallel_loop3A_187] {strides = array<i32>} : memref<1024xf32, #tpu.memory_space<vmem>>, vector<16xf32>,
          tpu.vector_store %arg21[%parallel_loop3A_187], %parallel_loop3A_186 {strides = array<i32>} : memref<1024xf32, #tpu.memory_space<vmem>>, vector<16xf32>,
          %parallel_loop3A_189 = arith.constant 1 : i32
          %parallel_loop3A_190 = arith.index_cast %parallel_loop3A_189 : i32 to index
          %parallel_loop3A_191 = arith.index_cast %parallel_loop3A_175 : i32 to index
          %parallel_loop3A_192 = tpu.vector_load %arg9[%parallel_loop3A_190, %parallel_loop3A_191] {strides = array<i32>} : memref<2x1024xi32, #tpu.memory_space<vmem>>, vector<16xi32>,
          %parallel_loop3A_193 = arith.index_cast %parallel_loop3A_175 : i32 to index
          %parallel_loop3A_194 = tpu.vector_load %arg17[%parallel_loop3A_193] {strides = array<i32>} : memref<1024xi32, #tpu.memory_space<vmem>>, vector<16xi32>,
          tpu.vector_store %arg17[%parallel_loop3A_193], %parallel_loop3A_192 {strides = array<i32>} : memref<1024xi32, #tpu.memory_space<vmem>>, vector<16xi32>,
        } {sc.loop_unroll_factor = 16 : i64, sc.parallel_access}
        %dma_start3A_173 = arith.constant 0 : i32
        %dma_start3A_174 = tpu.memref_slice %arg23[%dma_start3A_173] : memref<100352xf32, #tpu.memory_space<vmem_shared>> -> memref<100352xf32, #tpu.memory_space<vmem_shared>>
        tpu.enqueue_indirect_dma source(%arg21 : memref<1024xf32, #tpu.memory_space<vmem>>) target(%dma_start3A_174 : memref<100352xf32, #tpu.memory_space<vmem_shared>>) offsets(%arg17 : memref<1024xi32, #tpu.memory_space<vmem>>) semaphore(%arg31 : memref<!tpu.dma_semaphore, #tpu.memory_space<semaphore_mem>>) {add = true}
      } else {
      }
      %add3A_132 = arith.constant 4 : i32
      %add3A_133 = arith.addi %add3A_118, %add3A_132 : i32
      %lt3A_134 = arith.cmpi slt, %add3A_133, %select_n3A : i32
      %convert_element_type3A_135 = arith.extui %lt3A_134 : i1 to i32
      %cond3A_136 = arith.constant 0 : i32
      %cond3A_137 = arith.cmpi ne, %convert_element_type3A_135, %cond3A_136 : i32
      scf.if %cond3A_137 {
        %add3A_161 = arith.constant 4 : i32
        %add3A_162 = arith.addi %add3A_118, %add3A_161 : i32
        %add3A_163 = arith.addi %add3A_6, %add3A_162 : i32
        %mul3A_164 = arith.constant 1024 : i32
        %mul3A_165 = arith.muli %add3A_163, %mul3A_164 : i32
        %dma_start3A_166 = arith.constant 0 : i32
        %dma_start3A_167 = tpu.memref_slice %arg2[%dma_start3A_166, %mul3A_165] : memref<2x6400000xi32, #tpu.memory_space<hbm>> -> memref<2x1024xi32, #tpu.memory_space<hbm>>
        %dma_start3A_168 = arith.constant 0 : i32
        %dma_start3A_169 = tpu.memref_slice %arg2[%dma_start3A_168, %mul3A_165] : memref<2x6400000xi32, #tpu.memory_space<hbm>> -> memref<2x1024xi32, #tpu.memory_space<hbm>>
        tpu.enqueue_dma source(%dma_start3A_169 : memref<2x1024xi32, #tpu.memory_space<hbm>>) target(%arg9 : memref<2x1024xi32, #tpu.memory_space<vmem>>) target_semaphore(%arg27 : memref<!tpu.dma_semaphore, #tpu.memory_space<semaphore_mem>>)
        %dma_start3A_170 = tpu.memref_slice %arg3[%mul3A_165] : memref<6400000xf32, #tpu.memory_space<hbm>> -> memref<1024xf32, #tpu.memory_space<hbm>>
        %dma_start3A_171 = tpu.memref_slice %arg3[%mul3A_165] : memref<6400000xf32, #tpu.memory_space<hbm>> -> memref<1024xf32, #tpu.memory_space<hbm>>
        tpu.enqueue_dma source(%dma_start3A_171 : memref<1024xf32, #tpu.memory_space<hbm>>) target(%arg13 : memref<1024xf32, #tpu.memory_space<vmem>>) target_semaphore(%arg27 : memref<!tpu.dma_semaphore, #tpu.memory_space<semaphore_mem>>)
      } else {
      }
      %mul3A_138 = arith.constant 4 : i32
      %mul3A_139 = arith.muli %scan3A_72, %mul3A_138 : i32
      %add3A_140 = arith.constant 3 : i32
      %add3A_141 = arith.addi %mul3A_139, %add3A_140 : i32
      %ge3A_142 = arith.constant 4 : i32
      %ge3A_143 = arith.cmpi sge, %add3A_141, %ge3A_142 : i32
      %add3A_144 = arith.constant 4 : i32
      %add3A_145 = arith.addi %select_n3A, %add3A_144 : i32
      %lt3A_146 = arith.cmpi slt, %add3A_141, %add3A_145 : i32
      %and3A_147 = arith.andi %ge3A_143, %lt3A_146 : i1
      %convert_element_type3A_148 = arith.extui %and3A_147 : i1 to i32
      %cond3A_149 = arith.constant 0 : i32
      %cond3A_150 = arith.cmpi ne, %convert_element_type3A_148, %cond3A_149 : i32
      scf.if %cond3A_150 {
        %dma_wait3A = arith.constant 0 : i32
        %dma_wait3A_161 = tpu.memref_slice %arg23[%dma_wait3A] : memref<100352xf32, #tpu.memory_space<vmem_shared>> -> memref<100352xf32, #tpu.memory_space<vmem_shared>>
        tpu.wait_indirect_dma semaphore(%arg32 : memref<!tpu.dma_semaphore, #tpu.memory_space<semaphore_mem>>) src(%arg22 : memref<1024xf32, #tpu.memory_space<vmem>>) dst(%dma_wait3A_161 : memref<100352xf32, #tpu.memory_space<vmem_shared>>)
      } else {
      }
      %lt3A_151 = arith.cmpi slt, %add3A_141, %select_n3A : i32
      %convert_element_type3A_152 = arith.extui %lt3A_151 : i1 to i32
      %cond3A_153 = arith.constant 0 : i32
      %cond3A_154 = arith.cmpi ne, %convert_element_type3A_152, %cond3A_153 : i32
      scf.if %cond3A_154 {
        %dma_wait3A = arith.constant 0 : i32
        %dma_wait3A_161 = arith.constant 0 : i32
        %dma_wait3A_162 = tpu.memref_slice %arg2[%dma_wait3A, %dma_wait3A_161] : memref<2x6400000xi32, #tpu.memory_space<hbm>> -> memref<2x1024xi32, #tpu.memory_space<hbm>>
        %dma_wait3A_163 = arith.constant 0 : i32
        %dma_wait3A_164 = arith.constant 0 : i32
        %dma_wait3A_165 = tpu.memref_slice %arg2[%dma_wait3A_163, %dma_wait3A_164] : memref<2x6400000xi32, #tpu.memory_space<hbm>> -> memref<2x1024xi32, #tpu.memory_space<hbm>>
        tpu.wait_dma2 semaphore(%arg28 : memref<!tpu.dma_semaphore, #tpu.memory_space<semaphore_mem>>) src(%dma_wait3A_165 : memref<2x1024xi32, #tpu.memory_space<hbm>>) dst(%arg10 : memref<2x1024xi32, #tpu.memory_space<vmem>>)
        %dma_wait3A_166 = arith.constant 0 : i32
        %dma_wait3A_167 = tpu.memref_slice %arg3[%dma_wait3A_166] : memref<6400000xf32, #tpu.memory_space<hbm>> -> memref<1024xf32, #tpu.memory_space<hbm>>
        %dma_wait3A_168 = arith.constant 0 : i32
        %dma_wait3A_169 = tpu.memref_slice %arg3[%dma_wait3A_168] : memref<6400000xf32, #tpu.memory_space<hbm>> -> memref<1024xf32, #tpu.memory_space<hbm>>
        tpu.wait_dma2 semaphore(%arg28 : memref<!tpu.dma_semaphore, #tpu.memory_space<semaphore_mem>>) src(%dma_wait3A_169 : memref<1024xf32, #tpu.memory_space<hbm>>) dst(%arg14 : memref<1024xf32, #tpu.memory_space<vmem>>)
        %parallel_loop3A_170 = arith.constant 0 : i32
        %parallel_loop3A_171 = arith.constant 1024 : i32
        %parallel_loop3A_172 = arith.constant 16 : i32
        scf.for %parallel_loop3A_175 = %parallel_loop3A_170 to %parallel_loop3A_171 step %parallel_loop3A_172  : i32 {
          %parallel_loop3A_176 = arith.constant 0 : i32
          %parallel_loop3A_177 = arith.index_cast %parallel_loop3A_176 : i32 to index
          %parallel_loop3A_178 = arith.index_cast %parallel_loop3A_175 : i32 to index
          %parallel_loop3A_179 = tpu.vector_load %arg10[%parallel_loop3A_177, %parallel_loop3A_178] {strides = array<i32>} : memref<2x1024xi32, #tpu.memory_space<vmem>>, vector<16xi32>,
          %parallel_loop3A_180 = tpu.vector_load_idx %arg6[%parallel_loop3A_179] : memref<100000xf32, #tpu.memory_space<vmem>>[vector<16xi32>], vector<16xf32>,
          %parallel_loop3A_181 = arith.index_cast %parallel_loop3A_175 : i32 to index
          %parallel_loop3A_182 = tpu.vector_load %arg14[%parallel_loop3A_181] {strides = array<i32>} : memref<1024xf32, #tpu.memory_space<vmem>>, vector<16xf32>,
          %parallel_loop3A_183 = arith.constant 0.000000e+00 : f32
          %parallel_loop3A_184 = vector.broadcast %parallel_loop3A_183 : f32 to vector<16xf32>
          %parallel_loop3A_185 = arith.maximumf %parallel_loop3A_180, %parallel_loop3A_184 : vector<16xf32>
          %parallel_loop3A_186 = arith.mulf %parallel_loop3A_182, %parallel_loop3A_185 : vector<16xf32>
          %parallel_loop3A_187 = arith.index_cast %parallel_loop3A_175 : i32 to index
          %parallel_loop3A_188 = tpu.vector_load %arg22[%parallel_loop3A_187] {strides = array<i32>} : memref<1024xf32, #tpu.memory_space<vmem>>, vector<16xf32>,
          tpu.vector_store %arg22[%parallel_loop3A_187], %parallel_loop3A_186 {strides = array<i32>} : memref<1024xf32, #tpu.memory_space<vmem>>, vector<16xf32>,
          %parallel_loop3A_189 = arith.constant 1 : i32
          %parallel_loop3A_190 = arith.index_cast %parallel_loop3A_189 : i32 to index
          %parallel_loop3A_191 = arith.index_cast %parallel_loop3A_175 : i32 to index
          %parallel_loop3A_192 = tpu.vector_load %arg10[%parallel_loop3A_190, %parallel_loop3A_191] {strides = array<i32>} : memref<2x1024xi32, #tpu.memory_space<vmem>>, vector<16xi32>,
          %parallel_loop3A_193 = arith.index_cast %parallel_loop3A_175 : i32 to index
          %parallel_loop3A_194 = tpu.vector_load %arg18[%parallel_loop3A_193] {strides = array<i32>} : memref<1024xi32, #tpu.memory_space<vmem>>, vector<16xi32>,
          tpu.vector_store %arg18[%parallel_loop3A_193], %parallel_loop3A_192 {strides = array<i32>} : memref<1024xi32, #tpu.memory_space<vmem>>, vector<16xi32>,
        } {sc.loop_unroll_factor = 16 : i64, sc.parallel_access}
        %dma_start3A_173 = arith.constant 0 : i32
        %dma_start3A_174 = tpu.memref_slice %arg23[%dma_start3A_173] : memref<100352xf32, #tpu.memory_space<vmem_shared>> -> memref<100352xf32, #tpu.memory_space<vmem_shared>>
        tpu.enqueue_indirect_dma source(%arg22 : memref<1024xf32, #tpu.memory_space<vmem>>) target(%dma_start3A_174 : memref<100352xf32, #tpu.memory_space<vmem_shared>>) offsets(%arg18 : memref<1024xi32, #tpu.memory_space<vmem>>) semaphore(%arg32 : memref<!tpu.dma_semaphore, #tpu.memory_space<semaphore_mem>>) {add = true}
      } else {
      }
      %add3A_155 = arith.constant 4 : i32
      %add3A_156 = arith.addi %add3A_141, %add3A_155 : i32
      %lt3A_157 = arith.cmpi slt, %add3A_156, %select_n3A : i32
      %convert_element_type3A_158 = arith.extui %lt3A_157 : i1 to i32
      %cond3A_159 = arith.constant 0 : i32
      %cond3A_160 = arith.cmpi ne, %convert_element_type3A_158, %cond3A_159 : i32
      scf.if %cond3A_160 {
        %add3A_161 = arith.constant 4 : i32
        %add3A_162 = arith.addi %add3A_141, %add3A_161 : i32
        %add3A_163 = arith.addi %add3A_6, %add3A_162 : i32
        %mul3A_164 = arith.constant 1024 : i32
        %mul3A_165 = arith.muli %add3A_163, %mul3A_164 : i32
        %dma_start3A_166 = arith.constant 0 : i32
        %dma_start3A_167 = tpu.memref_slice %arg2[%dma_start3A_166, %mul3A_165] : memref<2x6400000xi32, #tpu.memory_space<hbm>> -> memref<2x1024xi32, #tpu.memory_space<hbm>>
        %dma_start3A_168 = arith.constant 0 : i32
        %dma_start3A_169 = tpu.memref_slice %arg2[%dma_start3A_168, %mul3A_165] : memref<2x6400000xi32, #tpu.memory_space<hbm>> -> memref<2x1024xi32, #tpu.memory_space<hbm>>
        tpu.enqueue_dma source(%dma_start3A_169 : memref<2x1024xi32, #tpu.memory_space<hbm>>) target(%arg10 : memref<2x1024xi32, #tpu.memory_space<vmem>>) target_semaphore(%arg28 : memref<!tpu.dma_semaphore, #tpu.memory_space<semaphore_mem>>)
        %dma_start3A_170 = tpu.memref_slice %arg3[%mul3A_165] : memref<6400000xf32, #tpu.memory_space<hbm>> -> memref<1024xf32, #tpu.memory_space<hbm>>
        %dma_start3A_171 = tpu.memref_slice %arg3[%mul3A_165] : memref<6400000xf32, #tpu.memory_space<hbm>> -> memref<1024xf32, #tpu.memory_space<hbm>>
        tpu.enqueue_dma source(%dma_start3A_171 : memref<1024xf32, #tpu.memory_space<hbm>>) target(%arg14 : memref<1024xf32, #tpu.memory_space<vmem>>) target_semaphore(%arg28 : memref<!tpu.dma_semaphore, #tpu.memory_space<semaphore_mem>>)
      } else {
      }
    }
    %scan3A_68 = arith.constant 50 : i32
    %barrier3A_69 = arith.constant 0 : index
    tpu.barrier barrier_id(%barrier3A_69)
    %mul3A_70 = arith.constant 6272 : i32
    %mul3A_71 = arith.muli %arg1, %mul3A_70 : i32
    "tpu.region"() ({
      %run_scoped3A = tpu.sem_alloc : memref<!tpu.dma_semaphore, #tpu.memory_space<semaphore_mem>>
      %dma_start3A_72 = tpu.memref_slice %arg5[%arg0, %mul3A_71] : memref<2x100352xf32, #tpu.memory_space<hbm>> -> memref<1x6272xf32, #tpu.memory_space<hbm>>
      %dma_start3A_73 = tpu.memref_squeeze %dma_start3A_72 : memref<1x6272xf32, #tpu.memory_space<hbm>> -> memref<6272xf32, #tpu.memory_space<hbm>>
      %dma_start3A_74 = tpu.memref_slice %arg23[%mul3A_71] : memref<100352xf32, #tpu.memory_space<vmem_shared>> -> memref<6272xf32, #tpu.memory_space<vmem_shared>>
      tpu.enqueue_dma source(%dma_start3A_74 : memref<6272xf32, #tpu.memory_space<vmem_shared>>) target(%dma_start3A_73 : memref<6272xf32, #tpu.memory_space<hbm>>) target_semaphore(%run_scoped3A : memref<!tpu.dma_semaphore, #tpu.memory_space<semaphore_mem>>)
      %dma_wait3A = tpu.memref_slice %arg5[%arg0, %mul3A_71] : memref<2x100352xf32, #tpu.memory_space<hbm>> -> memref<1x6272xf32, #tpu.memory_space<hbm>>
      %dma_wait3A_75 = tpu.memref_squeeze %dma_wait3A : memref<1x6272xf32, #tpu.memory_space<hbm>> -> memref<6272xf32, #tpu.memory_space<hbm>>
      %dma_wait3A_76 = tpu.memref_slice %arg23[%mul3A_71] : memref<100352xf32, #tpu.memory_space<vmem_shared>> -> memref<6272xf32, #tpu.memory_space<vmem_shared>>
      tpu.wait_dma2 semaphore(%run_scoped3A : memref<!tpu.dma_semaphore, #tpu.memory_space<semaphore_mem>>) src(%dma_wait3A_76 : memref<6272xf32, #tpu.memory_space<vmem_shared>>) dst(%dma_wait3A_75 : memref<6272xf32, #tpu.memory_space<hbm>>)
      tpu.yield
    }) : () -> ()
    return
  }
}

module attributes {stable_mosaic.version = 14 : i64} {
  func.func @_combine_body(%arg0: memref<2x100352xf32, #tpu.memory_space<vmem>>, %arg1: memref<100000xf32, #tpu.memory_space<vmem>>, %arg2: memref<100000xf32, #tpu.memory_space<vmem>>, %arg3: memref<100000xf32, #tpu.memory_space<vmem>>, %arg4: memref<100000xf32, #tpu.memory_space<vmem>>, %arg5: memref<100000xf32, #tpu.memory_space<vmem>>) attributes {dimension_semantics = [], scalar_prefetch = 0 : i64, scratch_operands = 0 : i64, tpu.core_type = #tpu.core_type<tc>} {
    %get3A = arith.constant 0 : index
    %get3A_0 = arith.constant 0 : index
    %get3A_1 = vector.load %arg0[%get3A, %get3A_0] : memref<2x100352xf32, #tpu.memory_space<vmem>>, vector<1x100000xf32>
    %get3A_2 = vector.shape_cast %get3A_1 : vector<1x100000xf32> to vector<100000xf32>
    %get3A_3 = arith.constant 1 : index
    %get3A_4 = arith.constant 0 : index
    %get3A_5 = vector.load %arg0[%get3A_3, %get3A_4] : memref<2x100352xf32, #tpu.memory_space<vmem>>, vector<1x100000xf32>
    %get3A_6 = vector.shape_cast %get3A_5 : vector<1x100000xf32> to vector<100000xf32>
    %add3A = arith.addf %get3A_2, %get3A_6 : vector<100000xf32>
    %get3A_7 = arith.constant 0 : index
    %get3A_8 = vector.load %arg1[%get3A_7] : memref<100000xf32, #tpu.memory_space<vmem>>, vector<100000xf32>
    %sub3A = arith.subf %add3A, %get3A_8 : vector<100000xf32>
    %get3A_9 = arith.constant 0 : index
    %get3A_10 = vector.load %arg2[%get3A_9] : memref<100000xf32, #tpu.memory_space<vmem>>, vector<100000xf32>
    %add3A_11 = arith.addf %sub3A, %get3A_10 : vector<100000xf32>
    %get3A_12 = arith.constant 0 : index
    %get3A_13 = vector.load %arg3[%get3A_12] : memref<100000xf32, #tpu.memory_space<vmem>>, vector<100000xf32>
    %add3A_14 = arith.addf %add3A_11, %get3A_13 : vector<100000xf32>
    %get3A_15 = arith.constant 0 : index
    %get3A_16 = vector.load %arg4[%get3A_15] : memref<100000xf32, #tpu.memory_space<vmem>>, vector<100000xf32>
    %div3A = arith.divf %add3A_14, %get3A_16 : vector<100000xf32>
    %swap3A = arith.constant 0 : index
    %swap3A_17 = vector.load %arg5[%swap3A] : memref<100000xf32, #tpu.memory_space<vmem>>, vector<100000xf32>
    tpu.vector_store %arg5[%swap3A], %div3A {strides = array<i32>} : memref<100000xf32, #tpu.memory_space<vmem>>, vector<100000xf32>,
    return
  }
}

</mosaic_0001>

<sc_bundles>
// kernel: kernel.4.cloned.1.call-start
scs
__scs_entry_jumppad:
0x0: {  	(pc) =	sbr.rel $0x88, $3  }
0x1: {  	(tag) =	ssettag $0x0;
	lr =	simm.s32 $0x1  }
0x2: {  	[smem:$0x3F9B] =	sst lr;
	_ =	strace $0xD0000000  }
0x3: {  	_ = 	snop  }
0x4: {  	_ = 	snop  }
0x5: {  	_ = 	snop  }
0x6: {  	_ = 	snop  }
0x7: {  	_ = 	snop  }
__scs_overlays_trampoline_lowered:
0x8: {  	[smem:$0x3FAA] =	sst s0  }
0x9: {  	[smem:$0x3FAB] =	sst s1  }
0xa: {  	[smem:$0x3FAC] =	sst s2  }
0xb: {  	[smem:$0x3FAD] =	sst s3  }
0xc: {  	[smem:$0x3FAE] =	sst s4  }
0xd: {  	[smem:$0x3FAF] =	sst s5  }
0xe: {  	[smem:$0x3FB0] =	sst s6  }
0xf: {  	[smem:$0x3FB1] =	sst s7  }
0x10: {  	[smem:$0x3FB2] =	sst s8  }
0x11: {  	[smem:$0x3FB3] =	sst s9;
	s0 =	simm.s32 @!p0 $0x0  }
0x12: {  	s1 =	sld [smem:$0x3F99];
	s0 =	simm.s32 @p0 $0x1  }
0x13: {  	[smem:$0x3FB4] =	sst s0;
	s0 =	simm.s32 @!p1 $0x0  }
0x14: {  	s2 =	sld [smem:$0x3F98];
	s0 =	simm.s32 @p1 $0x1  }
0x15: {  	[smem:$0x3FB5] =	sst s0;
	s0 =	simm.s32 @!p2 $0x0  }
0x16: {  	s3 =	sld [smem:$0x3FDB];
	s0 =	simm.s32 @p2 $0x1  }
0x17: {  	s4 =	simm.s32 $0x1BF5;
	[smem:$0x3FB7] =	sst s0  }
0x18: {  	s0 =	sld [smem:$0x3F9A];
	_ =	swait.ge [sflag:s4], $0x0  }
0x19: {  	s7 =	sld [smem:$0x3F9B]  }
0x1a: {  	s8 =	sadd.s32 $0xFFFFE003, lr  }
0x1b: {  	s9 =	sadd.s32 $0xFFFFFEF7, lr;
	s5 =	simm.s32 $0xFFFFFFFF;
	p2 =	slt.u32 s8, $0xFFFFF086  }
0x1c: {  	p1 =	slt.u32 s9, $0xF7A;
	s5 =	simm.s32 @!p2 $0x0  }
0x1d: {  	s5 =	simm.s32 @p1 $0x1;
	p0 =	seq.s32 s7, s2  }
0x1e: {  	s7 =	smul.u32 @!p0 $0xF7A, s2;
	p2 =	seq.s32 @!p0 s5, $0x0  }
0x1f: {  	s9 =	smul.u32 $0xF7A, s1;
	s8 =	simm.s32 @!p0 $0x1BF5;
	p2 =	por !p2, p0  }
0x20: {  	[sflag:s8] =	ssyncset.s32 @!p0 $0xFFFFF086;
	s6 =	sadd.s32 @!p0 s3, s7;
	s7 =	simm.s32 @!p0 $0x108  }
0x21: {  	s3 =	sadd.s32 s3, s9;
	s6 =	sadd.s32 @!p0 $0x88, s6;
	s7 =	simm.s32 @p2 $0x1082  }
0x22: {  	[simem:s7], [sflag:s8] =	dma.local @!p0 [hbm:s6], $0xF7A  }
0x23: {  	s9 =	sor.u32 $0xD0000000, s2;
	s6 =	simm.s32 $0x108;
	_ =	swait.ge @!p0 [sflag:s8], $0x0  }
0x24: {  	s3 =	sadd.s32 $0x88, s3;
	s6 =	simm.s32 @!p1 $0x1082;
	[sflag:s4] =	ssyncset.s32 $0xFFFFF086  }
0x25: {  	[simem:s6], [sflag:s4] =	dma.local [hbm:s3], $0xF7A  }
0x26: {  	[smem:$0x3F9B] =	sst s1;
	(tag) =	ssettag s2;
	_ =	strace s9  }
0x27: {  	s1 =	sld [smem:$0x3FAB]  }
0x28: {  	s2 =	sld [smem:$0x3FAC]  }
0x29: {  	s4 =	sld [smem:$0x3FAE]  }
0x2a: {  	p0 =	seq.s32 s5, $0x0;
	s5 =	sld [smem:$0x3FAF]  }
0x2b: {  	s6 =	sld [smem:$0x3FB0]  }
0x2c: {  	s7 =	sld [smem:$0x3FB1]  }
0x2d: {  	s3 =	simm.s32 $0x108;
	s8 =	sld [smem:$0x3FB2]  }
0x2e: {  	s3 =	simm.s32 @!p0 $0x1082;
	s9 =	sld [smem:$0x3FB3]  }
0x2f: {  	lr =	sadd.s32 s0, s3;
	s0 =	sld [smem:$0x3FAA]  }
0x30: {  	s3 =	sld [smem:$0x3FAD]  }
0x31: {  	[smem:$0x3FB6] =	sst s10  }
0x32: {  	s10 =	sld [smem:$0x3FB4];
	_ =	sdelay $0x3  }
0x33: {  	p0 =	seq.s32 s10, $0x1;
	s10 =	sld [smem:$0x3FB6];
	_ =	sdelay $0x3  }
0x34: {  	[smem:$0x3FB6] =	sst s10  }
0x35: {  	s10 =	sld [smem:$0x3FB5];
	_ =	sdelay $0x3  }
0x36: {  	p1 =	seq.s32 s10, $0x1;
	s10 =	sld [smem:$0x3FB6];
	_ =	sdelay $0x3  }
0x37: {  	[smem:$0x3FB6] =	sst s10  }
0x38: {  	s10 =	sld [smem:$0x3FB7]  }
0x39: {  	_ = 	snop;
	(pc) =	sbr.ind lr, $3  }
0x3a: {  	_ = 	snop  }
0x3b: {  	_ = 	snop  }
0x3c: {  	p2 =	seq.s32 s10, $0x1;
	s10 =	sld [smem:$0x3FB6]  }
0x3d: {  	_ =	shalt  }
0x3e: {  	_ =	shalt  }
0x3f: {  	_ =	shalt  }
0x40: {  	_ =	shalt  }
0x41: {  	_ =	shalt  }
0x42: {  	_ =	shalt  }
0x43: {  	_ =	shalt  }
0x44: {  	_ =	shalt  }
0x45: {  	_ =	shalt  }
0x46: {  	_ =	shalt  }
0x47: {  	_ =	shalt  }
0x48: {  	_ =	shalt  }
0x49: {  	_ =	shalt  }
0x4a: {  	_ =	shalt  }
0x4b: {  	_ =	shalt  }
0x4c: {  	_ =	shalt  }
0x4d: {  	_ =	shalt  }
0x4e: {  	_ =	shalt  }
0x4f: {  	_ =	shalt  }
0x50: {  	_ =	shalt  }
0x51: {  	_ =	shalt  }
0x52: {  	_ =	shalt  }
0x53: {  	_ =	shalt  }
0x54: {  	_ =	shalt  }
0x55: {  	_ =	shalt  }
0x56: {  	_ =	shalt  }
0x57: {  	_ =	shalt  }
0x58: {  	_ =	shalt  }
0x59: {  	_ =	shalt  }
0x5a: {  	_ =	shalt  }
0x5b: {  	_ =	shalt  }
0x5c: {  	_ =	shalt  }
0x5d: {  	_ =	shalt  }
0x5e: {  	_ =	shalt  }
0x5f: {  	_ =	shalt  }
0x60: {  	_ =	shalt  }
0x61: {  	_ =	shalt  }
0x62: {  	_ =	shalt  }
0x63: {  	_ =	shalt  }
0x64: {  	_ =	shalt  }
0x65: {  	_ =	shalt  }
0x66: {  	_ =	shalt  }
0x67: {  	_ =	shalt  }
0x68: {  	_ =	shalt  }
0x69: {  	_ =	shalt  }
0x6a: {  	_ =	shalt  }
0x6b: {  	_ =	shalt  }
0x6c: {  	_ =	shalt  }
0x6d: {  	_ =	shalt  }
0x6e: {  	_ =	shalt  }
0x6f: {  	_ =	shalt  }
0x70: {  	_ =	shalt  }
0x71: {  	_ =	shalt  }
0x72: {  	_ =	shalt  }
0x73: {  	_ =	shalt  }
0x74: {  	_ =	shalt  }
0x75: {  	_ =	shalt  }
0x76: {  	_ =	shalt  }
0x77: {  	_ =	shalt  }
0x78: {  	_ =	shalt  }
0x79: {  	_ =	shalt  }
0x7a: {  	_ =	shalt  }
0x7b: {  	_ =	shalt  }
0x7c: {  	_ =	shalt  }
0x7d: {  	_ =	shalt  }
0x7e: {  	_ =	shalt  }
0x7f: {  	_ =	shalt  }
0x80: {  	_ =	shalt  }
0x81: {  	_ =	shalt  }
0x82: {  	_ =	shalt  }
0x83: {  	_ =	shalt  }
0x84: {  	_ =	shalt  }
0x85: {  	_ =	shalt  }
0x86: {  	_ =	shalt  }
0x87: {  	_ =	shalt  }
.Lfunc_end0:
.L_simem_size_0:
called_computation_lowered:
.L_overlay_start_0:
0x88: {  	s2 =	sld [smem:$0x3FD9]  }
0x89: {  	s3 =	sld [smem:$0x3FFE];
	_ =	sdelay $0x1  }
0x8a: {  	s1 =	srdreg.scid  }
0x8b: {  	s0 =	sand.u32 $0x1, s1  }
0x8c: {  	s17 =	sshll.u32 s0, $0xA;
	s2 =	sadd.s32 s3, s2  }
0x8d: {  	s2 =	sadd.s32 s2, s17  }
0x8e: {  	[smem:$0x3FC2] =	sst s2  }
0x8f: {  	_ = 	snop  }
0x90: {  	s2 =	sld [smem:$0x3FC9]  }
0x91: {  	s18 =	sld [smem:$0x3FC7]  }
0x92: {  	s4 =	sld [smem:$0x3FC6];
	(tm) =	ssettm $0x1  }
0x93: {  	s5 =	sld [smem:$0x3FFB];
	_ =	sdelay $0x3  }
0x94: {  	_ =	strace s5  }
0x95: {  	s5 =	sld [smem:$0x3FFC];
	_ =	sdelay $0x3  }
0x96: {  	_ =	strace s5  }
0x97: {  	s5 =	sld [smem:$0x3FFD];
	_ =	sdelay $0x3  }
0x98: {  	_ =	strace s5  }
0x99: {  	_ =	strace $0x8FFFFFFF  }
0x9a: {  	s19 =	sld [smem:$0x3FDB];
	_ =	sdelay $0x1  }
0x9b: {  	s6 =	simm.s32 $_scs_section_size  }
0x9c: {  	s7 =	simm.s32 $_size__tile_overlayer_lowered;
	s8 =	simm.s32 $_tile_overlayer_lowered  }
0x9d: {  	s22 =	simm.s32 $0x1BFF;
	s21 =	sshll.u32 s8, $0x1;
	s5 =	sadd.s32 s6, s19  }
0x9e: {  	s9 =	simm.s32 $0x0;
	s20 =	sshll.u32 s7, $0x1;
	s7 =	sadd.s32 s21, s5  }
0x9f: {  	[timem:s9], [sflag:s22] =	dma.local [hbm:s7], s20  }
0xa0: {  	_ =	swait.ge [sflag:s22], s20  }
0xa1: {  	s6 =	ssub.s32 $0x0, s20;
	[sflag:s22] =	ssyncset.done $0x0  }
0xa2: {  	[sflag:s22] =	ssyncadd.s32 s6;
	_ =	sdelay $0x1  }
0xa3: {  	s23 =	simm.s32 $0x1B8B  }
0xa4: {  	_ =	swait.ge [sflag:s23], $0x1  }
0xa5: {  	[sflag:s23] =	ssyncset.done $0x0  }
0xa6: {  	s25 =	simm.s32 $0x1B8E;
	s24 =	sld [smem:$0x3FFE];
	[sflag:s23] =	ssyncadd.s32 $0xFFFFFFFF  }
0xa7: {  	s26 =	simm.s32 $execute0_lowered;
	[smem:$0x3FD2] =	sst s25  }
0xa8: {  	s7 =	sshll.u32 s26, $0x1;
	_ =	strace $0x80000046;
	[dreg:$0x1] =	wrdreg $0xFFFFFFFF  }
0xa9: {  	s28 =	simm.s32 $_size_execute0_lowered;
	s5 =	sadd.s32 s5, s7;
	[dreg:$0x0] =	wrdreg $0x0  }
0xaa: {  	s7 =	sshll.u32 s28, $0x1;
	[dreg:$0x2] =	wrdreg s5  }
0xab: {  	[dreg:$0x3] =	wrdreg s7  }
0xac: {  	[dreg:$0x4] =	wrdreg $0xC0  }
0xad: {  	_ =	task [dreg:s9], $0x5FFFF  }
0xae: {  	[dreg:$0x1] =	wrdreg $0xFFFFFFFF  }
0xaf: {  	[dreg:$0x0] =	wrdreg $0x60  }
0xb0: {  	[dreg:$0x2] =	wrdreg s18  }
0xb1: {  	[dreg:$0x3] =	wrdreg s4  }
0xb2: {  	[dreg:$0x4] =	wrdreg s2  }
0xb3: {  	[dreg:$0x5] =	wrdreg s24  }
0xb4: {  	[dreg:$0x6] =	wrdreg $0x1D7000  }
0xb5: {  	[dreg:$0x7] =	wrdreg $0x9  }
0xb6: {  	_ =	task.clear_ibuf [dreg:s9], $0x8FFFF;
	_ =	strace $0x90000046  }
0xb7: {  	s29 =	simm.s32 $0x9;
	_ =	strace $0x80000048  }
0xb8: {  	_ =	swait.ge [sflag:s29], $0x1  }
0xb9: {  	[sflag:s29] =	ssyncadd.s32 $0xFFFFFFFF  }
0xba: {  	_ =	strace $0x90000048  }
0xbb: {  	_ =	sfence  }
0xbc: {  	s30 =	sld [smem:$0x0];
	_ =	sdelay $0x2  }
0xbd: {  	s31 =	sshll.u32 s1, $0xD;
	s1 =	sshrl.u32 s1, $0x2  }
0xbe: {  	s3 =	sand.u32 $0x4000, s31;
	s1 =	sadd.s32 s1, s30  }
0xbf: {  	s0 =	sor.u32 s3, s0;
	s1 =	sshll.u32 s1, $0x11  }
0xc0: {  	s0 =	sor.u32 s1, s0  }
0xc1: {  	s0 =	sadd.s32 $0x8F2B, s0  }
0xc2: {  	[sflag:s0] =	ssyncadd.remote.s32 $0x1  }
0xc3: {  	_ =	sfence.sel $0xFFFF  }
0xc4: {  	[dreg:$0x0] =	wrdreg $0xFFFFFFFF;
	(pc) =	sbr.abs _section_cstart, $3  }
0xc5: {  	[dreg:$0x1] =	wrdreg $0xFFFFFFFF  }
0xc6: {  	_ =	task.clear_ibuf [dreg:s9], $0x2FFFF;
	_ =	strace $0x9FFFFFFF  }
0xc7: {  	(tm) =	ssettm $0x7FFFFFFF  }
tec
execute0_lowered:
.L_overlay_start_1:
0x0: {  	(tag) =	ssettag $0x1  }
0x1: {  	s1 =	rddreg [dreg:$0x0]  }
0x2: {  	s2 =	rddreg [dreg:$0x1]  }
0x3: {  	s0 =	rddreg [dreg:$0x3]  }
0x4: {  	s5 =	rddreg [dreg:$0x4]  }
0x5: {  	s3 =	srdreg.scid;
	s12 =	stileid.u32;
	s6 =	simm.s32 $0x0  }
0x6: {  	s28 =	simm.s32 $0x400;
	s29 =	simm.s32 $0x1B700;
	s30 =	simm.s32 $0x3  }
0x7: {  	s31 =	simm.s32 $0x1BB00;
	s3 =	sand.u32 $0x1, s3;
	s4 =	smul.u32 $0x3100, s12  }
0x8: {  	[smem:$0x7FF] =	sst s6;
	s8 =	sshll.u32 s12, $0x1;
	p0 =	slt.u32 s12, $0x5  }
0x9: {  	s19 =	smul.u32 $0x6200, s12;
	s12 =	simm.s32 $0x1C300;
	s7 =	sshll.u32 s3, $0x7  }
0xa: {  	_ =	strace $0x80000047;
	s10 =	sor.u32 s3, s8;
	s3 =	ssub.s32 $0x2, s3  }
0xb: {  	s4 =	sor.u32 s7, s4;
	s8 =	smul.u32 $0xC3, s10;
	s11 =	sshrl.u32 s3, $0x1  }
0xc: {  	s9 =	smin.u32 s10, $0xA;
	s7 =	simm.s32 $0xC4;
	s22 =	sshrl.u32 s19, $0x2  }
0xd: {  	s4 =	sshrl.u32 s4, $0x3;
	s3 =	ssub.s32 s3, s11;
	s7 =	simm.s32 @!p0 $0xC3  }
0xe: {  	s0 =	sadd.s32 s4, s0;
	s8 =	sadd.s32 s9, s8;
	s26 =	smax.u32 s3, $0x1  }
0xf: {  	s3 =	simm.s32 $0x1C700;
	s13 =	sshll.u32 s8, $0xA;
	s9 =	sshll.u32 s8, $0x8  }
0x10: {  	s10 =	sshll.u32 s8, $0x7;
	s0 =	sadd.s32 $0xE00, s0;
	[dreg:$0x12] =	wrdreg s26  }
0x11: {  	s26 =	simm.s32 $0x2;
	s11 =	sadd.s32 $0x400, s13;
	s9 =	sadd.s32 s1, s9  }
0x12: {  	s14 =	sadd.s32 s2, s10;
	s17 =	sadd.s32 $0x800, s13;
	[dreg:$0x11] =	wrdreg s0  }
0x13: {  	s4 =	sadd.s32 $0xC00, s13;
	s0 =	simm.s32 $0x1CB00;
	[dreg:$0x6] =	wrdreg s9  }
0x14: {  	s10 =	simm.s32 $0x1CF00;
	s13 =	simm.s32 $0x1D300;
	[dreg:$0x7] =	wrdreg s14  }
0x15: {  	s15 =	sshrl.u32 s11, $0x2;
	s16 =	sshrl.u32 s11, $0x3;
	s18 =	sshrl.u32 s17, $0x2  }
0x16: {  	s21 =	sshrl.u32 s4, $0x2;
	s4 =	sshrl.u32 s4, $0x3;
	s9 =	sadd.s32 s1, s15  }
0x17: {  	s20 =	sshrl.u32 s17, $0x3;
	s4 =	sadd.s32 s2, s4;
	[dreg:$0x8] =	wrdreg s9  }
0x18: {  	s11 =	simm.s32 $0x5;
	s9 =	sadd.s32 s2, s16;
	[dreg:$0xd] =	wrdreg s4  }
0x19: {  	s16 =	sadd.s32 s22, s5;
	[dreg:$0x9] =	wrdreg s9;
	s9 =	sadd.s32 s1, s18  }
0x1a: {  	s14 =	simm.s32 $0x0;
	s23 =	sadd.s32 $0x620, s16;
	[dreg:$0xa] =	wrdreg s9  }
.Ltmp0:
0x1b: {  	s24 =	sadd.s32 $0xC40, s16;
	[dreg:$0xe] =	wrdreg s23;
	(pc) =	sbr.rel .LBB2_1-.Ltmp0, $4  }
0x1c: {  	s4 =	simm.s32 $0x4;
	s25 =	sadd.s32 $0x1260, s16;
	[dreg:$0xf] =	wrdreg s24  }
0x1d: {  	s9 =	sadd.s32 s2, s20;
	[dreg:$0x10] =	wrdreg s25;
	s24 =	simm.s32 $0xA  }
0x1e: {  	s25 =	simm.s32 $0x1;
	[dreg:$0xb] =	wrdreg s9;
	s9 =	sadd.s32 s1, s21  }
0x1f: {  	v0 =	vimm.f32 $0.0e+00;
	s21 =	sadd.s32 $0x4, s7;
	[dreg:$0xc] =	wrdreg s9;
	s9 =	simm.s32 $0x1BF00  }
.LBB2_23:
0x20: {  	s15 =	stileid.u32;
	[bflag:$0x0] =	sbarrier.arrive $0xFFFF  }
0x21: {  	s17 =	sshrl.u32 s16, $0x3;
	s19 =	simm.s32 $0x20;
	s15 =	sshll.u32 s15, $0x6  }
0x22: {  	s20 =	simm.s32 $0x10;
	s18 =	rddreg [dreg:$0x11];
	s15 =	sor.u32 $0x1C0A, s15  }
0x23: {  	[hbm:s18@s19], [sflag:s15] =	dma.strided [spmem:s17@s20], $0x310, s25, $0x10   }
0x24: {  	_ =	swait.ge [sflag:s24], $0x310  }
0x25: {  	s14 =	sadd.s32 $0x1, s14;
	s23 =	rddreg [dreg:$0x12]  }
0x26: {  	p0 =	sne.s32 s14, s23  }
.Ltmp1:
0x27: {  	_ = 	snop;
	(pc) =	sbr.rel @!p0 .LBB2_24-.Ltmp1, $3  }
0x28: {  	_ =	sdelay $0x1  }
0x29: {  	[sflag:s24] =	ssyncset.done $0x0  }
0x2a: {  	[sflag:s24] =	ssyncadd.s32 $0xFFFFFCF0  }
.LBB2_1:
0x2b: {  	s15 =	rddreg [dreg:$0x2]  }
0x2c: {  	[tilespmem:s6], [sflag:$0x1] =	stream.linear.gather [hbm4b:s15+s6], $0x18700, $0x38;
	[tilespmem:$0x1EF80] =	vst v63  }
0x2d: {  	s20 =	rddreg [dreg:$0x6];
	s17 =	simm.s32 $0x18700  }
0x2e: {  	[tilespmem:s17], [sflag:$0x2] =	stream.linear.gather [hbm4b:s20+s6], $0x800, $0x38;
	[tilespmem:$0x1EF80] =	vst v63  }
0x2f: {  	s22 =	rddreg [dreg:$0x7];
	s23 =	simm.s32 $0x1A700  }
0x30: {  	[tilespmem:s23], [sflag:$0x2] =	stream.linear.gather [hbm4b:s22+s6], $0x400, $0x38;
	[tilespmem:$0x1EF80] =	vst v63  }
0x31: {  	s18 =	simm.s32 $0x18F00;
	s17 =	rddreg [dreg:$0x8]  }
0x32: {  	[tilespmem:s18], [sflag:$0x3] =	stream.linear.gather [hbm4b:s17+s6], $0x800, $0x38;
	[tilespmem:$0x1EF80] =	vst v63  }
0x33: {  	s19 =	rddreg [dreg:$0x9];
	s20 =	simm.s32 $0x1AB00  }
0x34: {  	[tilespmem:s20], [sflag:$0x3] =	stream.linear.gather [hbm4b:s19+s6], $0x400, $0x38;
	[tilespmem:$0x1EF80] =	vst v63  }
0x35: {  	s22 =	rddreg [dreg:$0xa];
	s23 =	simm.s32 $0x19700  }
0x36: {  	[tilespmem:s23], [sflag:$0x4] =	stream.linear.gather [hbm4b:s22+s6], $0x800, $0x38;
	[tilespmem:$0x1EF80] =	vst v63  }
0x37: {  	s17 =	rddreg [dreg:$0xb];
	s18 =	simm.s32 $0x1AF00  }
0x38: {  	[tilespmem:s18], [sflag:$0x4] =	stream.linear.gather [hbm4b:s17+s6], $0x400, $0x38;
	[tilespmem:$0x1EF80] =	vst v63  }
0x39: {  	s19 =	rddreg [dreg:$0xc];
	s20 =	simm.s32 $0x19F00  }
0x3a: {  	[tilespmem:s20], [sflag:$0x5] =	stream.linear.gather [hbm4b:s19+s6], $0x800, $0x38;
	[tilespmem:$0x1EF80] =	vst v63  }
0x3b: {  	s15 =	simm.s32 $0x1C740;
	s22 =	rddreg [dreg:$0xd];
	s23 =	simm.s32 $0x1B300  }
0x3c: {  	[tilespmem:s23], [sflag:$0x5] =	stream.linear.gather [hbm4b:s22+s6], $0x400, $0x38;
	[tilespmem:$0x1EF80] =	vst v63  }
0x3d: {  	[tilespmem:s15+$0xFFFFFFC0] =	vst v0  }
0x3e: {  	[tilespmem:s15+$0x30] =	vst v0  }
0x3f: {  	[tilespmem:s15+$0x20] =	vst v0  }
0x40: {  	[tilespmem:s15+$0x10] =	vst v0  }
0x41: {  	[tilespmem:s15+$0x0] =	vst v0  }
0x42: {  	[tilespmem:s15+$0xFFFFFFF0] =	vst v0  }
0x43: {  	s17 =	simm.s32 $0x1CD00;
	s19 =	simm.s32 $0x0;
	[tilespmem:s15+$0xFFFFFFE0] =	vst v0  }
.LBB2_2:
0x44: {  	s19 =	sadd.s32 $0x80, s19;
	[tilespmem:s15+$0xFFFFFFD0] =	vst v0;
	s15 =	sadd.s32 $0x80, s15;
	s18 =	simm.s32 $0x5F0  }
0x45: {  	[tilespmem:s15+$0xFFFFFFC0] =	vst v0;
	p0 =	slt.u32 s19, $0x580  }
0x46: {  	[tilespmem:s15+$0x30] =	vst v0  }
.Ltmp2:
0x47: {  	[tilespmem:s15+$0x20] =	vst v0;
	(pc) =	sbr.rel @p0 .LBB2_2-.Ltmp2, $4  }
0x48: {  	[tilespmem:s15+$0x10] =	vst v0  }
0x49: {  	[tilespmem:s15+$0x0] =	vst v0  }
0x4a: {  	[tilespmem:s15+$0xFFFFFFF0] =	vst v0  }
0x4b: {  	[tilespmem:s15+$0xFFFFFFE0] =	vst v0  }
0x4c: {  	[tilespmem:s15+$0xFFFFFFD0] =	vst v0  }
.LBB2_4:
0x4d: {  	s18 =	sadd.s32 $0x10, s18  }
0x4e: {  	p0 =	slt.u32 s18, $0x610  }
.Ltmp3:
0x4f: {  	_ = 	snop;
	(pc) =	sbr.rel @p0 .LBB2_4-.Ltmp3, $2  }
0x50: {  	_ =	sdelay $0x2  }
0x51: {  	[tilespmem:s17+$0x0] =	vst v0;
	s17 =	sadd.s32 $0x10, s17  }
0x52: {  	[spmem:s16] =	stream.linear.scatter [tilespmem:s3], [sflag:$0xA], $0x620, $0x38;
	[tilespmem:$0x1EF80] =	vst v63  }
0x53: {  	_ =	swait.ge [sflag:s24], $0x620  }
0x54: {  	[sflag:s24] =	ssyncset.done $0x0  }
0x55: {  	s15 =	rddreg [dreg:$0xe];
	[sflag:s24] =	ssyncadd.s32 $0xFFFFF9E0  }
0x56: {  	[spmem:s15] =	stream.linear.scatter [tilespmem:s3], [sflag:$0xA], $0x620, $0x38;
	[tilespmem:$0x1EF80] =	vst v63  }
0x57: {  	_ =	swait.ge [sflag:s24], $0x620  }
0x58: {  	[sflag:s24] =	ssyncset.done $0x0  }
0x59: {  	s22 =	rddreg [dreg:$0xf];
	[sflag:s24] =	ssyncadd.s32 $0xFFFFF9E0  }
0x5a: {  	[spmem:s22] =	stream.linear.scatter [tilespmem:s3], [sflag:$0xA], $0x620, $0x38;
	[tilespmem:$0x1EF80] =	vst v63  }
0x5b: {  	_ =	swait.ge [sflag:s24], $0x620  }
0x5c: {  	[sflag:s24] =	ssyncset.done $0x0  }
0x5d: {  	s23 =	rddreg [dreg:$0x10];
	[sflag:s24] =	ssyncadd.s32 $0xFFFFF9E0  }
0x5e: {  	[spmem:s23] =	stream.linear.scatter [tilespmem:s3], [sflag:$0xA], $0x620, $0x38;
	[tilespmem:$0x1EF80] =	vst v63  }
0x5f: {  	_ =	swait.ge [sflag:s24], $0x620  }
0x60: {  	[sflag:s24] =	ssyncset.done $0x0  }
.Ltmp4:
0x61: {  	[sflag:s24] =	ssyncadd.s32 $0xFFFFF9E0;
	(pc) =	sbr.rel .LBB2_6-.Ltmp4, $4  }
0x62: {  	[bflag:$0x0] =	sbarrier.arrive $0xFFFF  }
0x63: {  	_ =	swait.ge [sflag:s25], $0x18700  }
0x64: {  	[sflag:s25] =	ssyncset.done $0x0  }
0x65: {  	s15 =	simm.s32 $0x0;
	[sflag:s25] =	ssyncadd.s32 $0xFFFE7900  }
.LBB2_22:
0x66: {  	s17 =	sadd.s32 $0x7, s17  }
0x67: {  	p0 =	sge.u32 s17, s7  }
0x68: {  	s17 =	sadd.s32 @!p0 s8, s17  }
0x69: {  	s18 =	sshll.u32 @!p0 s17, $0x8  }
0x6a: {  	s19 =	simm.s32 @!p0 $0x0;
	s17 =	sshll.u32 @!p0 s17, $0x7;
	s18 =	sand.u32 @!p0 $0x1FFFFF00, s18  }
0x6b: {  	s20 =	simm.s32 @!p0 $0x19F00;
	s17 =	sand.u32 @!p0 $0x1FFFFF80, s17;
	s18 =	sadd.s32 @!p0 s1, s18  }
0x6c: {  	[tilespmem:s20], [sflag:$0x5] =	stream.linear.gather @!p0 [hbm4b:s18+s19], $0x800, $0x38;
	[tilespmem:$0x1EF80] =	vst v63  }
0x6d: {  	s15 =	sadd.s32 $0x1, s15;
	s17 =	sadd.s32 @!p0 s2, s17;
	s18 =	simm.s32 @!p0 $0x1B300  }
0x6e: {  	[tilespmem:s18], [sflag:$0x5] =	stream.linear.gather @!p0 [hbm4b:s17+s19], $0x400, $0x38;
	[tilespmem:$0x1EF80] =	vst v63  }
0x6f: {  	p0 =	sne.s32 s15, $0x32  }
.Ltmp5:
0x70: {  	_ = 	snop;
	(pc) =	sbr.rel @!p0 .LBB2_23-.Ltmp5, $1  }
0x71: {  	_ =	sdelay $0x3  }
.LBB2_6:
0x72: {  	s17 =	sshll.u32 s15, $0x2;
	p0 =	seq.s32 s15, $0x0  }
0x73: {  	p1 =	sge.u32 @!p0 s17, s21;
	p2 =	sge.u32 s17, s7  }
.Ltmp6:
0x74: {  	p1 =	por p1, p0;
	(pc) =	sbr.rel @p2 .LBB2_10-.Ltmp6, $4  }
0x75: {  	s18 =	simm.s32 @!p1 $0x6  }
0x76: {  	_ =	swait.ge @!p1 [sflag:s18], $0x400  }
0x77: {  	[sflag:s18] =	ssyncset.done @!p1 $0x0  }
0x78: {  	[sflag:s18] =	ssyncadd.s32 @!p1 $0xFFFFFC00  }
0x79: {  	_ =	swait.ge [sflag:s26], $0x800  }
0x7a: {  	[sflag:s26] =	ssyncset.done $0x0  }
0x7b: {  	[sflag:s26] =	ssyncadd.s32 $0xFFFFF800  }
0x7c: {  	_ =	swait.ge [sflag:s26], $0x400  }
0x7d: {  	[sflag:s26] =	ssyncset.done $0x0  }
0x7e: {  	s23 =	simm.s32 $0x18800;
	[sflag:s26] =	ssyncadd.s32 $0xFFFFFC00  }
0x7f: {  	v1 =	vld [tilespmem:s23+$0x70]  }
0x80: {  	v2 =	vld [tilespmem:s23+$0xFFFFFF10]  }
0x81: {  	v3 =	vld [tilespmem:s23+$0xFFFFFF20]  }
0x82: {  	v4 =	vld [tilespmem:s23+$0xFFFFFF30]  }
0x83: {  	v5 =	vld [tilespmem:s23+$0xFFFFFF40]  }
0x84: {  	v6 =	vld [tilespmem:s23+$0xFFFFFF50]  }
0x85: {  	v7 =	vld [tilespmem:s23+$0xFFFFFF60]  }
0x86: {  	v8 =	vld [tilespmem:s23+$0xFFFFFF70]  }
0x87: {  	s18 =	simm.s32 $0x1A780;
	v9 =	vld [tilespmem:s23+$0x0]  }
0x88: {  	v10 =	vld [tilespmem:s18+$0x70]  }
0x89: {  	v11 =	vld [tilespmem:s23+$0x10]  }
0x8a: {  	v12 =	vld [tilespmem:s23+$0x20]  }
0x8b: {  	v13 =	vld [tilespmem:s23+$0x30]  }
0x8c: {  	v14 =	vld [tilespmem:s23+$0x40]  }
0x8d: {  	v15 =	vld [tilespmem:s23+$0x50]  }
0x8e: {  	v56 =	vld [tilespmem:s23+$0x60]  }
0x8f: {  	v16 =	vld [tilespmem:s23+$0xFFFFFF00]  }
0x90: {  	v17 =	vld [tilespmem:s18+$0xFFFFFF80]  }
0x91: {  	v18 =	vld [tilespmem:s18+$0xFFFFFF90]  }
0x92: {  	v19 =	vld [tilespmem:s18+$0xFFFFFFA0]  }
0x93: {  	v20 =	vld [tilespmem:s18+$0xFFFFFFB0]  }
0x94: {  	v21 =	vld [tilespmem:s18+$0xFFFFFFC0]  }
0x95: {  	v57 =	vld [tilespmem:s18+$0xFFFFFFD0]  }
0x96: {  	v58 =	vld [tilespmem:s18+$0xFFFFFFF0]  }
0x97: {  	v1 =	vld.idx.msk [tilespmem:v1+s6+$0x0], $0xffff  }
0x98: {  	v2 =	vld.idx.msk [tilespmem:v2+s6+$0x0], $0xffff  }
0x99: {  	v3 =	vld.idx.msk [tilespmem:v3+s6+$0x0], $0xffff  }
0x9a: {  	v4 =	vld.idx.msk [tilespmem:v4+s6+$0x0], $0xffff  }
0x9b: {  	v5 =	vld.idx.msk [tilespmem:v5+s6+$0x0], $0xffff  }
0x9c: {  	v6 =	vld.idx.msk [tilespmem:v6+s6+$0x0], $0xffff  }
0x9d: {  	v7 =	vld.idx.msk [tilespmem:v7+s6+$0x0], $0xffff  }
0x9e: {  	v16 =	vld.idx.msk [tilespmem:v16+s6+$0x0], $0xffff  }
0x9f: {  	v8 =	vld.idx.msk [tilespmem:v8+s6+$0x0], $0xffff  }
0xa0: {  	v9 =	vld.idx.msk [tilespmem:v9+s6+$0x0], $0xffff;
	v1 =	vmax.f32 v1, $0.0e+00  }
0xa1: {  	v11 =	vld.idx.msk [tilespmem:v11+s6+$0x0], $0xffff;
	v2 =	vmax.f32 v2, $0.0e+00;
	v1 =	vmul.f32 v1, v10  }
0xa2: {  	s19 =	simm.s32 $0x1C780;
	v12 =	vld.idx.msk [tilespmem:v12+s6+$0x0], $0xffff;
	v2 =	vmul.f32 v2, v18  }
0xa3: {  	v13 =	vld.idx.msk [tilespmem:v13+s6+$0x0], $0xffff;
	v4 =	vmax.f32 v4, $0.0e+00;
	[tilespmem:s19+$0x70] =	vst v1  }
0xa4: {  	v16 =	vmax.f32 v16, $0.0e+00;
	[tilespmem:s19+$0xFFFFFF90] =	vst v2;
	v2 =	vmul.f32 v4, v20;
	v1 =	vld [tilespmem:s23+$0xF0]  }
0xa5: {  	v14 =	vld.idx.msk [tilespmem:v14+s6+$0x0], $0xffff;
	v6 =	vmax.f32 v6, $0.0e+00;
	v16 =	vmul.f32 v16, v17  }
0xa6: {  	v15 =	vld.idx.msk [tilespmem:v15+s6+$0x0], $0xffff;
	[tilespmem:s19+$0xFFFFFFB0] =	vst v2;
	v2 =	vmul.f32 v6, v57  }
0xa7: {  	v8 =	vmax.f32 v8, $0.0e+00;
	v10 =	vld.idx.msk [tilespmem:v56+s6+$0x0], $0xffff;
	[tilespmem:s19+$0xFFFFFF80] =	vst v16  }
0xa8: {  	s20 =	simm.s32 $0x1B780;
	v4 =	vld [tilespmem:s18+$0x0];
	[tilespmem:s19+$0xFFFFFFD0] =	vst v2;
	v2 =	vmul.f32 v8, v58  }
0xa9: {  	[tilespmem:s20+$0x70] =	vst v1;
	v1 =	vmax.f32 v3, $0.0e+00;
	v3 =	vld [tilespmem:s18+$0xFFFFFFE0]  }
0xaa: {  	v61 =	vld [tilespmem:s23+$0xFFFFFF80];
	[tilespmem:s19+$0xFFFFFFF0] =	vst v2;
	v1 =	vmul.f32 v1, v19  }
0xab: {  	v5 =	vmax.f32 v5, $0.0e+00;
	v63 =	vld [tilespmem:s23+$0xFFFFFFF0]  }
0xac: {  	[tilespmem:s19+$0xFFFFFFA0] =	vst v1;
	v1 =	vmul.f32 v5, v21;
	v5 =	vld [tilespmem:s18+$0x10]  }
0xad: {  	v7 =	vmax.f32 v7, $0.0e+00;
	v6 =	vld [tilespmem:s18+$0x20]  }
0xae: {  	[tilespmem:s19+$0xFFFFFFC0] =	vst v1;
	v1 =	vmul.f32 v7, v3;
	v3 =	vld [tilespmem:s18+$0x30]  }
0xaf: {  	v8 =	vld [tilespmem:s18+$0x40];
	[tilespmem:s20+$0xFFFFFF80] =	vst v61;
	v7 =	vmax.f32 v9, $0.0e+00  }
0xb0: {  	v59 =	vmax.f32 v11, $0.0e+00;
	[tilespmem:s19+$0xFFFFFFE0] =	vst v1;
	v1 =	vmul.f32 v7, v4;
	v4 =	vld [tilespmem:s18+$0x50]  }
0xb1: {  	v62 =	vld [tilespmem:s23+$0xFFFFFFA0];
	[tilespmem:s20+$0xFFFFFFF0] =	vst v63;
	v7 =	vmax.f32 v12, $0.0e+00;
	v2 =	vmul.f32 v59, v5  }
0xb2: {  	v60 =	vmax.f32 v13, $0.0e+00;
	v5 =	vld [tilespmem:s18+$0x60];
	[tilespmem:s19+$0x0] =	vst v1;
	v1 =	vmul.f32 v7, v6  }
0xb3: {  	v6 =	vmax.f32 v14, $0.0e+00;
	v7 =	vld [tilespmem:s23+$0xFFFFFF90];
	[tilespmem:s19+$0x10] =	vst v2;
	v2 =	vmul.f32 v60, v3  }
0xb4: {  	v3 =	vmax.f32 v15, $0.0e+00;
	[tilespmem:s19+$0x20] =	vst v1;
	v1 =	vmul.f32 v6, v8;
	v8 =	vld [tilespmem:s23+$0xFFFFFFB0]  }
0xb5: {  	[tilespmem:s19+$0x30] =	vst v2;
	v2 =	vmul.f32 v3, v4;
	v4 =	vld [tilespmem:s23+$0xFFFFFFC0]  }
0xb6: {  	[tilespmem:s20+$0xFFFFFFA0] =	vst v62;
	v6 =	vmax.f32 v10, $0.0e+00;
	v3 =	vld [tilespmem:s23+$0xA0]  }
0xb7: {  	[tilespmem:s19+$0x40] =	vst v1;
	v1 =	vmul.f32 v6, v5;
	v5 =	vld [tilespmem:s23+$0xFFFFFFD0]  }
0xb8: {  	v6 =	vld [tilespmem:s23+$0xFFFFFFE0];
	[tilespmem:s19+$0x50] =	vst v2  }
0xb9: {  	[tilespmem:s20+$0xFFFFFF90] =	vst v7;
	v2 =	vld [tilespmem:s23+$0x90]  }
0xba: {  	[tilespmem:s19+$0x60] =	vst v1;
	v1 =	vld [tilespmem:s23+$0x80]  }
0xbb: {  	[tilespmem:s20+$0xFFFFFFB0] =	vst v8;
	v7 =	vld [tilespmem:s23+$0xE0]  }
0xbc: {  	[tilespmem:s20+$0xFFFFFFC0] =	vst v4;
	v4 =	vld [tilespmem:s23+$0xB0]  }
0xbd: {  	[tilespmem:s20+$0xFFFFFFD0] =	vst v5;
	v5 =	vld [tilespmem:s23+$0xC0]  }
0xbe: {  	s22 =	simm.s32 $0x0;
	[tilespmem:s20+$0xFFFFFFE0] =	vst v6;
	v6 =	vld [tilespmem:s23+$0xD0];
	s23 =	simm.s32 $0x18A00  }
.LBB2_8:
0xbf: {  	v8 =	vld [tilespmem:s23+$0x70];
	s22 =	sadd.s32 $0x100, s22;
	[tilespmem:s20+$0x0] =	vst v1  }
0xc0: {  	v1 =	vld [tilespmem:s23+$0xFFFFFF10];
	p1 =	slt.u32 s22, $0x300;
	[tilespmem:s20+$0x10] =	vst v2  }
0xc1: {  	v2 =	vld [tilespmem:s23+$0xFFFFFF20];
	[tilespmem:s20+$0x20] =	vst v3  }
0xc2: {  	v3 =	vld [tilespmem:s23+$0xFFFFFF30];
	[tilespmem:s20+$0x30] =	vst v4  }
0xc3: {  	v4 =	vld [tilespmem:s23+$0xFFFFFF40];
	[tilespmem:s20+$0x40] =	vst v5  }
0xc4: {  	v5 =	vld [tilespmem:s23+$0xFFFFFF50];
	[tilespmem:s20+$0x50] =	vst v6  }
0xc5: {  	v6 =	vld [tilespmem:s23+$0xFFFFFF60];
	[tilespmem:s20+$0x60] =	vst v7  }
0xc6: {  	v7 =	vld [tilespmem:s23+$0xFFFFFF70]  }
0xc7: {  	v8 =	vld.idx.msk [tilespmem:v8+s6+$0x0], $0xffff  }
0xc8: {  	s18 =	sadd.s32 $0x100, s18;
	v9 =	vld [tilespmem:s23+$0x0]  }
0xc9: {  	v10 =	vld [tilespmem:s18+$0x70]  }
0xca: {  	v11 =	vld [tilespmem:s23+$0x10]  }
0xcb: {  	v12 =	vld [tilespmem:s23+$0x20]  }
0xcc: {  	v13 =	vld [tilespmem:s23+$0x30]  }
0xcd: {  	v8 =	vmax.f32 v8, $0.0e+00;
	v14 =	vld [tilespmem:s23+$0x40]  }
0xce: {  	v15 =	vld [tilespmem:s23+$0x50];
	v8 =	vmul.f32 v8, v10  }
0xcf: {  	s19 =	sadd.s32 $0x100, s19;
	v10 =	vld [tilespmem:s23+$0x60]  }
0xd0: {  	v16 =	vld [tilespmem:s23+$0xFFFFFF00];
	[tilespmem:s19+$0x70] =	vst v8  }
0xd1: {  	v8 =	vld [tilespmem:s23+$0xF0]  }
0xd2: {  	v1 =	vld.idx.msk [tilespmem:v1+s6+$0x0], $0xffff  }
0xd3: {  	v2 =	vld.idx.msk [tilespmem:v2+s6+$0x0], $0xffff  }
0xd4: {  	v3 =	vld.idx.msk [tilespmem:v3+s6+$0x0], $0xffff  }
0xd5: {  	s20 =	sadd.s32 $0x100, s20;
	v4 =	vld.idx.msk [tilespmem:v4+s6+$0x0], $0xffff  }
0xd6: {  	v5 =	vld.idx.msk [tilespmem:v5+s6+$0x0], $0xffff;
	[tilespmem:s20+$0x70] =	vst v8  }
0xd7: {  	v6 =	vld.idx.msk [tilespmem:v6+s6+$0x0], $0xffff  }
0xd8: {  	v1 =	vmax.f32 v1, $0.0e+00;
	v8 =	vld.idx.msk [tilespmem:v16+s6+$0x0], $0xffff  }
0xd9: {  	v2 =	vmax.f32 v2, $0.0e+00;
	v7 =	vld.idx.msk [tilespmem:v7+s6+$0x0], $0xffff  }
0xda: {  	v3 =	vmax.f32 v3, $0.0e+00;
	v9 =	vld.idx.msk [tilespmem:v9+s6+$0x0], $0xffff  }
0xdb: {  	v4 =	vmax.f32 v4, $0.0e+00;
	v11 =	vld.idx.msk [tilespmem:v11+s6+$0x0], $0xffff  }
0xdc: {  	v5 =	vmax.f32 v5, $0.0e+00;
	v12 =	vld.idx.msk [tilespmem:v12+s6+$0x0], $0xffff  }
0xdd: {  	v6 =	vmax.f32 v6, $0.0e+00;
	v13 =	vld.idx.msk [tilespmem:v13+s6+$0x0], $0xffff  }
0xde: {  	v8 =	vmax.f32 v8, $0.0e+00;
	v14 =	vld.idx.msk [tilespmem:v14+s6+$0x0], $0xffff  }
0xdf: {  	v7 =	vmax.f32 v7, $0.0e+00;
	v15 =	vld.idx.msk [tilespmem:v15+s6+$0x0], $0xffff  }
0xe0: {  	v9 =	vmax.f32 v9, $0.0e+00;
	v10 =	vld.idx.msk [tilespmem:v10+s6+$0x0], $0xffff  }
0xe1: {  	v11 =	vmax.f32 v11, $0.0e+00;
	v16 =	vld [tilespmem:s18+$0xFFFFFF80]  }
0xe2: {  	v12 =	vmax.f32 v12, $0.0e+00;
	v17 =	vld [tilespmem:s18+$0xFFFFFF90]  }
0xe3: {  	v13 =	vmax.f32 v13, $0.0e+00;
	v18 =	vld [tilespmem:s18+$0xFFFFFFA0]  }
0xe4: {  	v14 =	vmax.f32 v14, $0.0e+00;
	v19 =	vld [tilespmem:s18+$0xFFFFFFB0]  }
0xe5: {  	v15 =	vmax.f32 v15, $0.0e+00;
	v20 =	vld [tilespmem:s18+$0xFFFFFFC0]  }
0xe6: {  	v10 =	vmax.f32 v10, $0.0e+00;
	v8 =	vmul.f32 v8, v16;
	v16 =	vld [tilespmem:s18+$0xFFFFFFD0]  }
0xe7: {  	v1 =	vmul.f32 v1, v17;
	v17 =	vld [tilespmem:s18+$0xFFFFFFE0]  }
0xe8: {  	[tilespmem:s19+$0xFFFFFF80] =	vst v8;
	v2 =	vmul.f32 v2, v18;
	v8 =	vld [tilespmem:s18+$0xFFFFFFF0]  }
0xe9: {  	[tilespmem:s19+$0xFFFFFF90] =	vst v1;
	v1 =	vmul.f32 v3, v19;
	v3 =	vld [tilespmem:s18+$0x0]  }
0xea: {  	[tilespmem:s19+$0xFFFFFFA0] =	vst v2;
	v2 =	vmul.f32 v4, v20;
	v4 =	vld [tilespmem:s18+$0x10]  }
0xeb: {  	[tilespmem:s19+$0xFFFFFFB0] =	vst v1;
	v1 =	vmul.f32 v5, v16;
	v5 =	vld [tilespmem:s18+$0x20]  }
0xec: {  	[tilespmem:s19+$0xFFFFFFC0] =	vst v2;
	v2 =	vmul.f32 v6, v17;
	v6 =	vld [tilespmem:s18+$0x30]  }
0xed: {  	[tilespmem:s19+$0xFFFFFFD0] =	vst v1;
	v1 =	vmul.f32 v7, v8;
	v7 =	vld [tilespmem:s18+$0x40]  }
0xee: {  	[tilespmem:s19+$0xFFFFFFE0] =	vst v2;
	v2 =	vmul.f32 v9, v3;
	v3 =	vld [tilespmem:s18+$0x50]  }
0xef: {  	[tilespmem:s19+$0xFFFFFFF0] =	vst v1;
	v1 =	vmul.f32 v11, v4;
	v4 =	vld [tilespmem:s18+$0x60]  }
0xf0: {  	v8 =	vld [tilespmem:s23+$0xFFFFFF80];
	[tilespmem:s19+$0x0] =	vst v2;
	v2 =	vmul.f32 v12, v5  }
0xf1: {  	v5 =	vld [tilespmem:s23+$0xFFFFFF90];
	[tilespmem:s19+$0x10] =	vst v1;
	v1 =	vmul.f32 v13, v6  }
0xf2: {  	v6 =	vld [tilespmem:s23+$0xFFFFFFA0];
	[tilespmem:s19+$0x20] =	vst v2;
	v2 =	vmul.f32 v14, v7  }
0xf3: {  	v7 =	vld [tilespmem:s23+$0xFFFFFFB0];
	[tilespmem:s19+$0x30] =	vst v1;
	v1 =	vmul.f32 v15, v3  }
0xf4: {  	v9 =	vld [tilespmem:s23+$0xFFFFFFC0];
	[tilespmem:s19+$0x40] =	vst v2;
	v2 =	vmul.f32 v10, v4  }
0xf5: {  	v10 =	vld [tilespmem:s23+$0xFFFFFFD0];
	[tilespmem:s19+$0x50] =	vst v1  }
0xf6: {  	v11 =	vld [tilespmem:s23+$0xFFFFFFE0];
	[tilespmem:s19+$0x60] =	vst v2  }
0xf7: {  	[tilespmem:s20+$0xFFFFFF80] =	vst v8;
	v8 =	vld [tilespmem:s23+$0xFFFFFFF0]  }
0xf8: {  	[tilespmem:s20+$0xFFFFFF90] =	vst v5;
	v1 =	vld [tilespmem:s23+$0x80]  }
0xf9: {  	[tilespmem:s20+$0xFFFFFFA0] =	vst v6;
	v2 =	vld [tilespmem:s23+$0x90]  }
.Ltmp7:
0xfa: {  	[tilespmem:s20+$0xFFFFFFB0] =	vst v7;
	v3 =	vld [tilespmem:s23+$0xA0];
	(pc) =	sbr.rel @p1 .LBB2_8-.Ltmp7, $4  }
0xfb: {  	[tilespmem:s20+$0xFFFFFFC0] =	vst v9;
	v4 =	vld [tilespmem:s23+$0xB0]  }
0xfc: {  	[tilespmem:s20+$0xFFFFFFD0] =	vst v10;
	v5 =	vld [tilespmem:s23+$0xC0]  }
0xfd: {  	[tilespmem:s20+$0xFFFFFFE0] =	vst v11;
	v6 =	vld [tilespmem:s23+$0xD0]  }
0xfe: {  	[tilespmem:s20+$0xFFFFFFF0] =	vst v8;
	v7 =	vld [tilespmem:s23+$0xE0];
	s23 =	sadd.s32 $0x200, s23  }
0xff: {  	[tilespmem:s20+$0x0] =	vst v1  }
0x100: {  	[tilespmem:s20+$0x10] =	vst v2  }
0x101: {  	[tilespmem:s20+$0x20] =	vst v3  }
0x102: {  	[tilespmem:s20+$0x30] =	vst v4  }
0x103: {  	[tilespmem:s20+$0x40] =	vst v5  }
0x104: {  	[tilespmem:s20+$0x50] =	vst v6  }
0x105: {  	[tilespmem:s20+$0x60] =	vst v7  }
0x106: {  	[spmem:s5] =	stream.indirect.scatter.add.f32 [tilespmem:s3], [sflag:$0x6], $0x1, s29, s28, $0xb8;
	[tilespmem:$0x1EF80] =	vst v63  }
.LBB2_10:
0x107: {  	s18 =	sadd.s32 $0x4, s17  }
0x108: {  	p1 =	sge.u32 s18, s7  }
0x109: {  	s18 =	sadd.s32 @!p1 s8, s18  }
0x10a: {  	s19 =	sshll.u32 @!p1 s18, $0x8  }
0x10b: {  	s20 =	simm.s32 @!p1 $0x0;
	s18 =	sshll.u32 @!p1 s18, $0x7;
	s19 =	sand.u32 @!p1 $0x1FFFFF00, s19  }
0x10c: {  	s22 =	simm.s32 @!p1 $0x18700;
	s18 =	sand.u32 @!p1 $0x1FFFFF80, s18;
	s19 =	sadd.s32 @!p1 s1, s19  }
0x10d: {  	[tilespmem:s22], [sflag:$0x2] =	stream.linear.gather @!p1 [hbm4b:s19+s20], $0x800, $0x38;
	[tilespmem:$0x1EF80] =	vst v63  }
0x10e: {  	s18 =	sadd.s32 @!p1 s2, s18;
	s19 =	simm.s32 @!p1 $0x1A700  }
0x10f: {  	[tilespmem:s19], [sflag:$0x2] =	stream.linear.gather @!p1 [hbm4b:s18+s20], $0x400, $0x38;
	[tilespmem:$0x1EF80] =	vst v63  }
0x110: {  	s18 =	sor.u32 $0x1, s17  }
0x111: {  	p1 =	sge.u32 @!p0 s18, s21;
	p2 =	sge.u32 s18, s7  }
.Ltmp8:
0x112: {  	p1 =	por p1, p0;
	(pc) =	sbr.rel @p2 .LBB2_14-.Ltmp8, $4  }
0x113: {  	s19 =	simm.s32 @!p1 $0x7  }
0x114: {  	_ =	swait.ge @!p1 [sflag:s19], $0x400  }
0x115: {  	[sflag:s19] =	ssyncset.done @!p1 $0x0  }
0x116: {  	[sflag:s19] =	ssyncadd.s32 @!p1 $0xFFFFFC00  }
0x117: {  	_ =	swait.ge [sflag:s30], $0x800  }
0x118: {  	[sflag:s30] =	ssyncset.done $0x0  }
0x119: {  	[sflag:s30] =	ssyncadd.s32 $0xFFFFF800  }
0x11a: {  	_ =	swait.ge [sflag:s30], $0x400  }
0x11b: {  	[sflag:s30] =	ssyncset.done $0x0  }
0x11c: {  	s23 =	simm.s32 $0x19000;
	[sflag:s30] =	ssyncadd.s32 $0xFFFFFC00  }
0x11d: {  	v1 =	vld [tilespmem:s23+$0x70]  }
0x11e: {  	v2 =	vld [tilespmem:s23+$0xFFFFFF10]  }
0x11f: {  	v3 =	vld [tilespmem:s23+$0xFFFFFF20]  }
0x120: {  	v4 =	vld [tilespmem:s23+$0xFFFFFF30]  }
0x121: {  	v5 =	vld [tilespmem:s23+$0xFFFFFF40]  }
0x122: {  	v6 =	vld [tilespmem:s23+$0xFFFFFF50]  }
0x123: {  	v7 =	vld [tilespmem:s23+$0xFFFFFF60]  }
0x124: {  	v8 =	vld [tilespmem:s23+$0xFFFFFF70]  }
0x125: {  	s18 =	simm.s32 $0x1AB80;
	v9 =	vld [tilespmem:s23+$0x0]  }
0x126: {  	v10 =	vld [tilespmem:s18+$0x70]  }
0x127: {  	v11 =	vld [tilespmem:s23+$0x10]  }
0x128: {  	v12 =	vld [tilespmem:s23+$0x20]  }
0x129: {  	v13 =	vld [tilespmem:s23+$0x30]  }
0x12a: {  	v14 =	vld [tilespmem:s23+$0x40]  }
0x12b: {  	v15 =	vld [tilespmem:s23+$0x50]  }
0x12c: {  	v56 =	vld [tilespmem:s23+$0x60]  }
0x12d: {  	v16 =	vld [tilespmem:s23+$0xFFFFFF00]  }
0x12e: {  	v17 =	vld [tilespmem:s18+$0xFFFFFF80]  }
0x12f: {  	v18 =	vld [tilespmem:s18+$0xFFFFFF90]  }
0x130: {  	v19 =	vld [tilespmem:s18+$0xFFFFFFA0]  }
0x131: {  	v20 =	vld [tilespmem:s18+$0xFFFFFFB0]  }
0x132: {  	v21 =	vld [tilespmem:s18+$0xFFFFFFC0]  }
0x133: {  	v57 =	vld [tilespmem:s18+$0xFFFFFFD0]  }
0x134: {  	v58 =	vld [tilespmem:s18+$0xFFFFFFF0]  }
0x135: {  	v1 =	vld.idx.msk [tilespmem:v1+s6+$0x0], $0xffff  }
0x136: {  	v2 =	vld.idx.msk [tilespmem:v2+s6+$0x0], $0xffff  }
0x137: {  	v3 =	vld.idx.msk [tilespmem:v3+s6+$0x0], $0xffff  }
0x138: {  	v4 =	vld.idx.msk [tilespmem:v4+s6+$0x0], $0xffff  }
0x139: {  	v5 =	vld.idx.msk [tilespmem:v5+s6+$0x0], $0xffff  }
0x13a: {  	v6 =	vld.idx.msk [tilespmem:v6+s6+$0x0], $0xffff  }
0x13b: {  	v7 =	vld.idx.msk [tilespmem:v7+s6+$0x0], $0xffff  }
0x13c: {  	v16 =	vld.idx.msk [tilespmem:v16+s6+$0x0], $0xffff  }
0x13d: {  	v8 =	vld.idx.msk [tilespmem:v8+s6+$0x0], $0xffff  }
0x13e: {  	v9 =	vld.idx.msk [tilespmem:v9+s6+$0x0], $0xffff;
	v1 =	vmax.f32 v1, $0.0e+00  }
0x13f: {  	v11 =	vld.idx.msk [tilespmem:v11+s6+$0x0], $0xffff;
	v2 =	vmax.f32 v2, $0.0e+00;
	v1 =	vmul.f32 v1, v10  }
0x140: {  	s19 =	simm.s32 $0x1CB80;
	v12 =	vld.idx.msk [tilespmem:v12+s6+$0x0], $0xffff;
	v2 =	vmul.f32 v2, v18  }
0x141: {  	v13 =	vld.idx.msk [tilespmem:v13+s6+$0x0], $0xffff;
	v4 =	vmax.f32 v4, $0.0e+00;
	[tilespmem:s19+$0x70] =	vst v1  }
0x142: {  	v16 =	vmax.f32 v16, $0.0e+00;
	[tilespmem:s19+$0xFFFFFF90] =	vst v2;
	v2 =	vmul.f32 v4, v20;
	v1 =	vld [tilespmem:s23+$0xF0]  }
0x143: {  	v14 =	vld.idx.msk [tilespmem:v14+s6+$0x0], $0xffff;
	v6 =	vmax.f32 v6, $0.0e+00;
	v16 =	vmul.f32 v16, v17  }
0x144: {  	v15 =	vld.idx.msk [tilespmem:v15+s6+$0x0], $0xffff;
	[tilespmem:s19+$0xFFFFFFB0] =	vst v2;
	v2 =	vmul.f32 v6, v57  }
0x145: {  	v8 =	vmax.f32 v8, $0.0e+00;
	v10 =	vld.idx.msk [tilespmem:v56+s6+$0x0], $0xffff;
	[tilespmem:s19+$0xFFFFFF80] =	vst v16  }
0x146: {  	s20 =	simm.s32 $0x1BB80;
	v4 =	vld [tilespmem:s18+$0x0];
	[tilespmem:s19+$0xFFFFFFD0] =	vst v2;
	v2 =	vmul.f32 v8, v58  }
0x147: {  	[tilespmem:s20+$0x70] =	vst v1;
	v1 =	vmax.f32 v3, $0.0e+00;
	v3 =	vld [tilespmem:s18+$0xFFFFFFE0]  }
0x148: {  	v61 =	vld [tilespmem:s23+$0xFFFFFF80];
	[tilespmem:s19+$0xFFFFFFF0] =	vst v2;
	v1 =	vmul.f32 v1, v19  }
0x149: {  	v5 =	vmax.f32 v5, $0.0e+00;
	v63 =	vld [tilespmem:s23+$0xFFFFFFF0]  }
0x14a: {  	[tilespmem:s19+$0xFFFFFFA0] =	vst v1;
	v1 =	vmul.f32 v5, v21;
	v5 =	vld [tilespmem:s18+$0x10]  }
0x14b: {  	v7 =	vmax.f32 v7, $0.0e+00;
	v6 =	vld [tilespmem:s18+$0x20]  }
0x14c: {  	[tilespmem:s19+$0xFFFFFFC0] =	vst v1;
	v1 =	vmul.f32 v7, v3;
	v3 =	vld [tilespmem:s18+$0x30]  }
0x14d: {  	v8 =	vld [tilespmem:s18+$0x40];
	[tilespmem:s20+$0xFFFFFF80] =	vst v61;
	v7 =	vmax.f32 v9, $0.0e+00  }
0x14e: {  	v59 =	vmax.f32 v11, $0.0e+00;
	[tilespmem:s19+$0xFFFFFFE0] =	vst v1;
	v1 =	vmul.f32 v7, v4;
	v4 =	vld [tilespmem:s18+$0x50]  }
0x14f: {  	v62 =	vld [tilespmem:s23+$0xFFFFFFA0];
	[tilespmem:s20+$0xFFFFFFF0] =	vst v63;
	v7 =	vmax.f32 v12, $0.0e+00;
	v2 =	vmul.f32 v59, v5  }
0x150: {  	v60 =	vmax.f32 v13, $0.0e+00;
	v5 =	vld [tilespmem:s18+$0x60];
	[tilespmem:s19+$0x0] =	vst v1;
	v1 =	vmul.f32 v7, v6  }
0x151: {  	v6 =	vmax.f32 v14, $0.0e+00;
	v7 =	vld [tilespmem:s23+$0xFFFFFF90];
	[tilespmem:s19+$0x10] =	vst v2;
	v2 =	vmul.f32 v60, v3  }
0x152: {  	v3 =	vmax.f32 v15, $0.0e+00;
	[tilespmem:s19+$0x20] =	vst v1;
	v1 =	vmul.f32 v6, v8;
	v8 =	vld [tilespmem:s23+$0xFFFFFFB0]  }
0x153: {  	[tilespmem:s19+$0x30] =	vst v2;
	v2 =	vmul.f32 v3, v4;
	v4 =	vld [tilespmem:s23+$0xFFFFFFC0]  }
0x154: {  	[tilespmem:s20+$0xFFFFFFA0] =	vst v62;
	v6 =	vmax.f32 v10, $0.0e+00;
	v3 =	vld [tilespmem:s23+$0xA0]  }
0x155: {  	[tilespmem:s19+$0x40] =	vst v1;
	v1 =	vmul.f32 v6, v5;
	v5 =	vld [tilespmem:s23+$0xFFFFFFD0]  }
0x156: {  	v6 =	vld [tilespmem:s23+$0xFFFFFFE0];
	[tilespmem:s19+$0x50] =	vst v2  }
0x157: {  	[tilespmem:s20+$0xFFFFFF90] =	vst v7;
	v2 =	vld [tilespmem:s23+$0x90]  }
0x158: {  	[tilespmem:s19+$0x60] =	vst v1;
	v1 =	vld [tilespmem:s23+$0x80]  }
0x159: {  	[tilespmem:s20+$0xFFFFFFB0] =	vst v8;
	v7 =	vld [tilespmem:s23+$0xE0]  }
0x15a: {  	[tilespmem:s20+$0xFFFFFFC0] =	vst v4;
	v4 =	vld [tilespmem:s23+$0xB0]  }
0x15b: {  	[tilespmem:s20+$0xFFFFFFD0] =	vst v5;
	v5 =	vld [tilespmem:s23+$0xC0]  }
0x15c: {  	s22 =	simm.s32 $0x0;
	[tilespmem:s20+$0xFFFFFFE0] =	vst v6;
	v6 =	vld [tilespmem:s23+$0xD0];
	s23 =	simm.s32 $0x19200  }
.LBB2_12:
0x15d: {  	v8 =	vld [tilespmem:s23+$0x70];
	s22 =	sadd.s32 $0x100, s22;
	[tilespmem:s20+$0x0] =	vst v1  }
0x15e: {  	v1 =	vld [tilespmem:s23+$0xFFFFFF10];
	p1 =	slt.u32 s22, $0x300;
	[tilespmem:s20+$0x10] =	vst v2  }
0x15f: {  	v2 =	vld [tilespmem:s23+$0xFFFFFF20];
	[tilespmem:s20+$0x20] =	vst v3  }
0x160: {  	v3 =	vld [tilespmem:s23+$0xFFFFFF30];
	[tilespmem:s20+$0x30] =	vst v4  }
0x161: {  	v4 =	vld [tilespmem:s23+$0xFFFFFF40];
	[tilespmem:s20+$0x40] =	vst v5  }
0x162: {  	v5 =	vld [tilespmem:s23+$0xFFFFFF50];
	[tilespmem:s20+$0x50] =	vst v6  }
0x163: {  	v6 =	vld [tilespmem:s23+$0xFFFFFF60];
	[tilespmem:s20+$0x60] =	vst v7  }
0x164: {  	v7 =	vld [tilespmem:s23+$0xFFFFFF70]  }
0x165: {  	v8 =	vld.idx.msk [tilespmem:v8+s6+$0x0], $0xffff  }
0x166: {  	s18 =	sadd.s32 $0x100, s18;
	v9 =	vld [tilespmem:s23+$0x0]  }
0x167: {  	v10 =	vld [tilespmem:s18+$0x70]  }
0x168: {  	v11 =	vld [tilespmem:s23+$0x10]  }
0x169: {  	v12 =	vld [tilespmem:s23+$0x20]  }
0x16a: {  	v13 =	vld [tilespmem:s23+$0x30]  }
0x16b: {  	v8 =	vmax.f32 v8, $0.0e+00;
	v14 =	vld [tilespmem:s23+$0x40]  }
0x16c: {  	v15 =	vld [tilespmem:s23+$0x50];
	v8 =	vmul.f32 v8, v10  }
0x16d: {  	s19 =	sadd.s32 $0x100, s19;
	v10 =	vld [tilespmem:s23+$0x60]  }
0x16e: {  	v16 =	vld [tilespmem:s23+$0xFFFFFF00];
	[tilespmem:s19+$0x70] =	vst v8  }
0x16f: {  	v8 =	vld [tilespmem:s23+$0xF0]  }
0x170: {  	v1 =	vld.idx.msk [tilespmem:v1+s6+$0x0], $0xffff  }
0x171: {  	v2 =	vld.idx.msk [tilespmem:v2+s6+$0x0], $0xffff  }
0x172: {  	v3 =	vld.idx.msk [tilespmem:v3+s6+$0x0], $0xffff  }
0x173: {  	s20 =	sadd.s32 $0x100, s20;
	v4 =	vld.idx.msk [tilespmem:v4+s6+$0x0], $0xffff  }
0x174: {  	v5 =	vld.idx.msk [tilespmem:v5+s6+$0x0], $0xffff;
	[tilespmem:s20+$0x70] =	vst v8  }
0x175: {  	v6 =	vld.idx.msk [tilespmem:v6+s6+$0x0], $0xffff  }
0x176: {  	v1 =	vmax.f32 v1, $0.0e+00;
	v8 =	vld.idx.msk [tilespmem:v16+s6+$0x0], $0xffff  }
0x177: {  	v2 =	vmax.f32 v2, $0.0e+00;
	v7 =	vld.idx.msk [tilespmem:v7+s6+$0x0], $0xffff  }
0x178: {  	v3 =	vmax.f32 v3, $0.0e+00;
	v9 =	vld.idx.msk [tilespmem:v9+s6+$0x0], $0xffff  }
0x179: {  	v4 =	vmax.f32 v4, $0.0e+00;
	v11 =	vld.idx.msk [tilespmem:v11+s6+$0x0], $0xffff  }
0x17a: {  	v5 =	vmax.f32 v5, $0.0e+00;
	v12 =	vld.idx.msk [tilespmem:v12+s6+$0x0], $0xffff  }
0x17b: {  	v6 =	vmax.f32 v6, $0.0e+00;
	v13 =	vld.idx.msk [tilespmem:v13+s6+$0x0], $0xffff  }
0x17c: {  	v8 =	vmax.f32 v8, $0.0e+00;
	v14 =	vld.idx.msk [tilespmem:v14+s6+$0x0], $0xffff  }
0x17d: {  	v7 =	vmax.f32 v7, $0.0e+00;
	v15 =	vld.idx.msk [tilespmem:v15+s6+$0x0], $0xffff  }
0x17e: {  	v9 =	vmax.f32 v9, $0.0e+00;
	v10 =	vld.idx.msk [tilespmem:v10+s6+$0x0], $0xffff  }
0x17f: {  	v11 =	vmax.f32 v11, $0.0e+00;
	v16 =	vld [tilespmem:s18+$0xFFFFFF80]  }
0x180: {  	v12 =	vmax.f32 v12, $0.0e+00;
	v17 =	vld [tilespmem:s18+$0xFFFFFF90]  }
0x181: {  	v13 =	vmax.f32 v13, $0.0e+00;
	v18 =	vld [tilespmem:s18+$0xFFFFFFA0]  }
0x182: {  	v14 =	vmax.f32 v14, $0.0e+00;
	v19 =	vld [tilespmem:s18+$0xFFFFFFB0]  }
0x183: {  	v15 =	vmax.f32 v15, $0.0e+00;
	v20 =	vld [tilespmem:s18+$0xFFFFFFC0]  }
0x184: {  	v10 =	vmax.f32 v10, $0.0e+00;
	v8 =	vmul.f32 v8, v16;
	v16 =	vld [tilespmem:s18+$0xFFFFFFD0]  }
0x185: {  	v1 =	vmul.f32 v1, v17;
	v17 =	vld [tilespmem:s18+$0xFFFFFFE0]  }
0x186: {  	[tilespmem:s19+$0xFFFFFF80] =	vst v8;
	v2 =	vmul.f32 v2, v18;
	v8 =	vld [tilespmem:s18+$0xFFFFFFF0]  }
0x187: {  	[tilespmem:s19+$0xFFFFFF90] =	vst v1;
	v1 =	vmul.f32 v3, v19;
	v3 =	vld [tilespmem:s18+$0x0]  }
0x188: {  	[tilespmem:s19+$0xFFFFFFA0] =	vst v2;
	v2 =	vmul.f32 v4, v20;
	v4 =	vld [tilespmem:s18+$0x10]  }
0x189: {  	[tilespmem:s19+$0xFFFFFFB0] =	vst v1;
	v1 =	vmul.f32 v5, v16;
	v5 =	vld [tilespmem:s18+$0x20]  }
0x18a: {  	[tilespmem:s19+$0xFFFFFFC0] =	vst v2;
	v2 =	vmul.f32 v6, v17;
	v6 =	vld [tilespmem:s18+$0x30]  }
0x18b: {  	[tilespmem:s19+$0xFFFFFFD0] =	vst v1;
	v1 =	vmul.f32 v7, v8;
	v7 =	vld [tilespmem:s18+$0x40]  }
0x18c: {  	[tilespmem:s19+$0xFFFFFFE0] =	vst v2;
	v2 =	vmul.f32 v9, v3;
	v3 =	vld [tilespmem:s18+$0x50]  }
0x18d: {  	[tilespmem:s19+$0xFFFFFFF0] =	vst v1;
	v1 =	vmul.f32 v11, v4;
	v4 =	vld [tilespmem:s18+$0x60]  }
0x18e: {  	v8 =	vld [tilespmem:s23+$0xFFFFFF80];
	[tilespmem:s19+$0x0] =	vst v2;
	v2 =	vmul.f32 v12, v5  }
0x18f: {  	v5 =	vld [tilespmem:s23+$0xFFFFFF90];
	[tilespmem:s19+$0x10] =	vst v1;
	v1 =	vmul.f32 v13, v6  }
0x190: {  	v6 =	vld [tilespmem:s23+$0xFFFFFFA0];
	[tilespmem:s19+$0x20] =	vst v2;
	v2 =	vmul.f32 v14, v7  }
0x191: {  	v7 =	vld [tilespmem:s23+$0xFFFFFFB0];
	[tilespmem:s19+$0x30] =	vst v1;
	v1 =	vmul.f32 v15, v3  }
0x192: {  	v9 =	vld [tilespmem:s23+$0xFFFFFFC0];
	[tilespmem:s19+$0x40] =	vst v2;
	v2 =	vmul.f32 v10, v4  }
0x193: {  	v10 =	vld [tilespmem:s23+$0xFFFFFFD0];
	[tilespmem:s19+$0x50] =	vst v1  }
0x194: {  	v11 =	vld [tilespmem:s23+$0xFFFFFFE0];
	[tilespmem:s19+$0x60] =	vst v2  }
0x195: {  	[tilespmem:s20+$0xFFFFFF80] =	vst v8;
	v8 =	vld [tilespmem:s23+$0xFFFFFFF0]  }
0x196: {  	[tilespmem:s20+$0xFFFFFF90] =	vst v5;
	v1 =	vld [tilespmem:s23+$0x80]  }
0x197: {  	[tilespmem:s20+$0xFFFFFFA0] =	vst v6;
	v2 =	vld [tilespmem:s23+$0x90]  }
.Ltmp9:
0x198: {  	[tilespmem:s20+$0xFFFFFFB0] =	vst v7;
	v3 =	vld [tilespmem:s23+$0xA0];
	(pc) =	sbr.rel @p1 .LBB2_12-.Ltmp9, $4  }
0x199: {  	[tilespmem:s20+$0xFFFFFFC0] =	vst v9;
	v4 =	vld [tilespmem:s23+$0xB0]  }
0x19a: {  	[tilespmem:s20+$0xFFFFFFD0] =	vst v10;
	v5 =	vld [tilespmem:s23+$0xC0]  }
0x19b: {  	[tilespmem:s20+$0xFFFFFFE0] =	vst v11;
	v6 =	vld [tilespmem:s23+$0xD0]  }
0x19c: {  	[tilespmem:s20+$0xFFFFFFF0] =	vst v8;
	v7 =	vld [tilespmem:s23+$0xE0];
	s23 =	sadd.s32 $0x200, s23  }
0x19d: {  	[tilespmem:s20+$0x0] =	vst v1  }
0x19e: {  	[tilespmem:s20+$0x10] =	vst v2  }
0x19f: {  	[tilespmem:s20+$0x20] =	vst v3  }
0x1a0: {  	[tilespmem:s20+$0x30] =	vst v4  }
0x1a1: {  	[tilespmem:s20+$0x40] =	vst v5  }
0x1a2: {  	[tilespmem:s20+$0x50] =	vst v6  }
0x1a3: {  	[tilespmem:s20+$0x60] =	vst v7  }
0x1a4: {  	[spmem:s5] =	stream.indirect.scatter.add.f32 [tilespmem:s0], [sflag:$0x7], $0x1, s31, s28, $0xb8;
	[tilespmem:$0x1EF80] =	vst v63  }
.LBB2_14:
0x1a5: {  	s18 =	sadd.s32 $0x5, s17  }
0x1a6: {  	p1 =	sge.u32 s18, s7  }
0x1a7: {  	s18 =	sadd.s32 @!p1 s8, s18  }
0x1a8: {  	s19 =	sshll.u32 @!p1 s18, $0x8  }
0x1a9: {  	s20 =	simm.s32 @!p1 $0x0;
	s18 =	sshll.u32 @!p1 s18, $0x7;
	s19 =	sand.u32 @!p1 $0x1FFFFF00, s19  }
0x1aa: {  	s22 =	simm.s32 @!p1 $0x18F00;
	s18 =	sand.u32 @!p1 $0x1FFFFF80, s18;
	s19 =	sadd.s32 @!p1 s1, s19  }
0x1ab: {  	[tilespmem:s22], [sflag:$0x3] =	stream.linear.gather @!p1 [hbm4b:s19+s20], $0x800, $0x38;
	[tilespmem:$0x1EF80] =	vst v63  }
0x1ac: {  	s18 =	sadd.s32 @!p1 s2, s18;
	s19 =	simm.s32 @!p1 $0x1AB00  }
0x1ad: {  	[tilespmem:s19], [sflag:$0x3] =	stream.linear.gather @!p1 [hbm4b:s18+s20], $0x400, $0x38;
	[tilespmem:$0x1EF80] =	vst v63  }
0x1ae: {  	s18 =	sor.u32 $0x2, s17  }
0x1af: {  	p1 =	sge.u32 @!p0 s18, s21;
	p2 =	sge.u32 s18, s7  }
.Ltmp10:
0x1b0: {  	p1 =	por p1, p0;
	(pc) =	sbr.rel @p2 .LBB2_18-.Ltmp10, $4  }
0x1b1: {  	s19 =	simm.s32 @!p1 $0x8  }
0x1b2: {  	_ =	swait.ge @!p1 [sflag:s19], $0x400  }
0x1b3: {  	[sflag:s19] =	ssyncset.done @!p1 $0x0  }
0x1b4: {  	[sflag:s19] =	ssyncadd.s32 @!p1 $0xFFFFFC00  }
0x1b5: {  	_ =	swait.ge [sflag:s4], $0x800  }
0x1b6: {  	[sflag:s4] =	ssyncset.done $0x0  }
0x1b7: {  	[sflag:s4] =	ssyncadd.s32 $0xFFFFF800  }
0x1b8: {  	_ =	swait.ge [sflag:s4], $0x400  }
0x1b9: {  	[sflag:s4] =	ssyncset.done $0x0  }
0x1ba: {  	s23 =	simm.s32 $0x19800;
	[sflag:s4] =	ssyncadd.s32 $0xFFFFFC00  }
0x1bb: {  	v1 =	vld [tilespmem:s23+$0x70]  }
0x1bc: {  	v2 =	vld [tilespmem:s23+$0xFFFFFF10]  }
0x1bd: {  	v3 =	vld [tilespmem:s23+$0xFFFFFF20]  }
0x1be: {  	v4 =	vld [tilespmem:s23+$0xFFFFFF30]  }
0x1bf: {  	v5 =	vld [tilespmem:s23+$0xFFFFFF40]  }
0x1c0: {  	v6 =	vld [tilespmem:s23+$0xFFFFFF50]  }
0x1c1: {  	v7 =	vld [tilespmem:s23+$0xFFFFFF60]  }
0x1c2: {  	v8 =	vld [tilespmem:s23+$0xFFFFFF70]  }
0x1c3: {  	s18 =	simm.s32 $0x1AF80;
	v9 =	vld [tilespmem:s23+$0x0]  }
0x1c4: {  	v10 =	vld [tilespmem:s18+$0x70]  }
0x1c5: {  	v11 =	vld [tilespmem:s23+$0x10]  }
0x1c6: {  	v12 =	vld [tilespmem:s23+$0x20]  }
0x1c7: {  	v13 =	vld [tilespmem:s23+$0x30]  }
0x1c8: {  	v14 =	vld [tilespmem:s23+$0x40]  }
0x1c9: {  	v15 =	vld [tilespmem:s23+$0x50]  }
0x1ca: {  	v56 =	vld [tilespmem:s23+$0x60]  }
0x1cb: {  	v16 =	vld [tilespmem:s23+$0xFFFFFF00]  }
0x1cc: {  	v17 =	vld [tilespmem:s18+$0xFFFFFF80]  }
0x1cd: {  	v18 =	vld [tilespmem:s18+$0xFFFFFF90]  }
0x1ce: {  	v19 =	vld [tilespmem:s18+$0xFFFFFFA0]  }
0x1cf: {  	v20 =	vld [tilespmem:s18+$0xFFFFFFB0]  }
0x1d0: {  	v21 =	vld [tilespmem:s18+$0xFFFFFFC0]  }
0x1d1: {  	v57 =	vld [tilespmem:s18+$0xFFFFFFD0]  }
0x1d2: {  	v58 =	vld [tilespmem:s18+$0xFFFFFFF0]  }
0x1d3: {  	v1 =	vld.idx.msk [tilespmem:v1+s6+$0x0], $0xffff  }
0x1d4: {  	v2 =	vld.idx.msk [tilespmem:v2+s6+$0x0], $0xffff  }
0x1d5: {  	v3 =	vld.idx.msk [tilespmem:v3+s6+$0x0], $0xffff  }
0x1d6: {  	v4 =	vld.idx.msk [tilespmem:v4+s6+$0x0], $0xffff  }
0x1d7: {  	v5 =	vld.idx.msk [tilespmem:v5+s6+$0x0], $0xffff  }
0x1d8: {  	v6 =	vld.idx.msk [tilespmem:v6+s6+$0x0], $0xffff  }
0x1d9: {  	v7 =	vld.idx.msk [tilespmem:v7+s6+$0x0], $0xffff  }
0x1da: {  	v16 =	vld.idx.msk [tilespmem:v16+s6+$0x0], $0xffff  }
0x1db: {  	v8 =	vld.idx.msk [tilespmem:v8+s6+$0x0], $0xffff  }
0x1dc: {  	v9 =	vld.idx.msk [tilespmem:v9+s6+$0x0], $0xffff;
	v1 =	vmax.f32 v1, $0.0e+00  }
0x1dd: {  	v11 =	vld.idx.msk [tilespmem:v11+s6+$0x0], $0xffff;
	v2 =	vmax.f32 v2, $0.0e+00;
	v1 =	vmul.f32 v1, v10  }
0x1de: {  	s19 =	simm.s32 $0x1CF80;
	v12 =	vld.idx.msk [tilespmem:v12+s6+$0x0], $0xffff;
	v2 =	vmul.f32 v2, v18  }
0x1df: {  	v13 =	vld.idx.msk [tilespmem:v13+s6+$0x0], $0xffff;
	v4 =	vmax.f32 v4, $0.0e+00;
	[tilespmem:s19+$0x70] =	vst v1  }
0x1e0: {  	v16 =	vmax.f32 v16, $0.0e+00;
	[tilespmem:s19+$0xFFFFFF90] =	vst v2;
	v2 =	vmul.f32 v4, v20;
	v1 =	vld [tilespmem:s23+$0xF0]  }
0x1e1: {  	v14 =	vld.idx.msk [tilespmem:v14+s6+$0x0], $0xffff;
	v6 =	vmax.f32 v6, $0.0e+00;
	v16 =	vmul.f32 v16, v17  }
0x1e2: {  	v15 =	vld.idx.msk [tilespmem:v15+s6+$0x0], $0xffff;
	[tilespmem:s19+$0xFFFFFFB0] =	vst v2;
	v2 =	vmul.f32 v6, v57  }
0x1e3: {  	v8 =	vmax.f32 v8, $0.0e+00;
	v10 =	vld.idx.msk [tilespmem:v56+s6+$0x0], $0xffff;
	[tilespmem:s19+$0xFFFFFF80] =	vst v16  }
0x1e4: {  	s20 =	simm.s32 $0x1BF80;
	v4 =	vld [tilespmem:s18+$0x0];
	[tilespmem:s19+$0xFFFFFFD0] =	vst v2;
	v2 =	vmul.f32 v8, v58  }
0x1e5: {  	[tilespmem:s20+$0x70] =	vst v1;
	v1 =	vmax.f32 v3, $0.0e+00;
	v3 =	vld [tilespmem:s18+$0xFFFFFFE0]  }
0x1e6: {  	v61 =	vld [tilespmem:s23+$0xFFFFFF80];
	[tilespmem:s19+$0xFFFFFFF0] =	vst v2;
	v1 =	vmul.f32 v1, v19  }
0x1e7: {  	v5 =	vmax.f32 v5, $0.0e+00;
	v63 =	vld [tilespmem:s23+$0xFFFFFFF0]  }
0x1e8: {  	[tilespmem:s19+$0xFFFFFFA0] =	vst v1;
	v1 =	vmul.f32 v5, v21;
	v5 =	vld [tilespmem:s18+$0x10]  }
0x1e9: {  	v7 =	vmax.f32 v7, $0.0e+00;
	v6 =	vld [tilespmem:s18+$0x20]  }
0x1ea: {  	[tilespmem:s19+$0xFFFFFFC0] =	vst v1;
	v1 =	vmul.f32 v7, v3;
	v3 =	vld [tilespmem:s18+$0x30]  }
0x1eb: {  	v8 =	vld [tilespmem:s18+$0x40];
	[tilespmem:s20+$0xFFFFFF80] =	vst v61;
	v7 =	vmax.f32 v9, $0.0e+00  }
0x1ec: {  	v59 =	vmax.f32 v11, $0.0e+00;
	[tilespmem:s19+$0xFFFFFFE0] =	vst v1;
	v1 =	vmul.f32 v7, v4;
	v4 =	vld [tilespmem:s18+$0x50]  }
0x1ed: {  	v62 =	vld [tilespmem:s23+$0xFFFFFFA0];
	[tilespmem:s20+$0xFFFFFFF0] =	vst v63;
	v7 =	vmax.f32 v12, $0.0e+00;
	v2 =	vmul.f32 v59, v5  }
0x1ee: {  	v60 =	vmax.f32 v13, $0.0e+00;
	v5 =	vld [tilespmem:s18+$0x60];
	[tilespmem:s19+$0x0] =	vst v1;
	v1 =	vmul.f32 v7, v6  }
0x1ef: {  	v6 =	vmax.f32 v14, $0.0e+00;
	v7 =	vld [tilespmem:s23+$0xFFFFFF90];
	[tilespmem:s19+$0x10] =	vst v2;
	v2 =	vmul.f32 v60, v3  }
0x1f0: {  	v3 =	vmax.f32 v15, $0.0e+00;
	[tilespmem:s19+$0x20] =	vst v1;
	v1 =	vmul.f32 v6, v8;
	v8 =	vld [tilespmem:s23+$0xFFFFFFB0]  }
0x1f1: {  	[tilespmem:s19+$0x30] =	vst v2;
	v2 =	vmul.f32 v3, v4;
	v4 =	vld [tilespmem:s23+$0xFFFFFFC0]  }
0x1f2: {  	[tilespmem:s20+$0xFFFFFFA0] =	vst v62;
	v6 =	vmax.f32 v10, $0.0e+00;
	v3 =	vld [tilespmem:s23+$0xA0]  }
0x1f3: {  	[tilespmem:s19+$0x40] =	vst v1;
	v1 =	vmul.f32 v6, v5;
	v5 =	vld [tilespmem:s23+$0xFFFFFFD0]  }
0x1f4: {  	v6 =	vld [tilespmem:s23+$0xFFFFFFE0];
	[tilespmem:s19+$0x50] =	vst v2  }
0x1f5: {  	[tilespmem:s20+$0xFFFFFF90] =	vst v7;
	v2 =	vld [tilespmem:s23+$0x90]  }
0x1f6: {  	[tilespmem:s19+$0x60] =	vst v1;
	v1 =	vld [tilespmem:s23+$0x80]  }
0x1f7: {  	[tilespmem:s20+$0xFFFFFFB0] =	vst v8;
	v7 =	vld [tilespmem:s23+$0xE0]  }
0x1f8: {  	[tilespmem:s20+$0xFFFFFFC0] =	vst v4;
	v4 =	vld [tilespmem:s23+$0xB0]  }
0x1f9: {  	[tilespmem:s20+$0xFFFFFFD0] =	vst v5;
	v5 =	vld [tilespmem:s23+$0xC0]  }
0x1fa: {  	s22 =	simm.s32 $0x0;
	[tilespmem:s20+$0xFFFFFFE0] =	vst v6;
	v6 =	vld [tilespmem:s23+$0xD0];
	s23 =	simm.s32 $0x19A00  }
.LBB2_16:
0x1fb: {  	v8 =	vld [tilespmem:s23+$0x70];
	s22 =	sadd.s32 $0x100, s22;
	[tilespmem:s20+$0x0] =	vst v1  }
0x1fc: {  	v1 =	vld [tilespmem:s23+$0xFFFFFF10];
	p1 =	slt.u32 s22, $0x300;
	[tilespmem:s20+$0x10] =	vst v2  }
0x1fd: {  	v2 =	vld [tilespmem:s23+$0xFFFFFF20];
	[tilespmem:s20+$0x20] =	vst v3  }
0x1fe: {  	v3 =	vld [tilespmem:s23+$0xFFFFFF30];
	[tilespmem:s20+$0x30] =	vst v4  }
0x1ff: {  	v4 =	vld [tilespmem:s23+$0xFFFFFF40];
	[tilespmem:s20+$0x40] =	vst v5  }
0x200: {  	v5 =	vld [tilespmem:s23+$0xFFFFFF50];
	[tilespmem:s20+$0x50] =	vst v6  }
0x201: {  	v6 =	vld [tilespmem:s23+$0xFFFFFF60];
	[tilespmem:s20+$0x60] =	vst v7  }
0x202: {  	v7 =	vld [tilespmem:s23+$0xFFFFFF70]  }
0x203: {  	v8 =	vld.idx.msk [tilespmem:v8+s6+$0x0], $0xffff  }
0x204: {  	s18 =	sadd.s32 $0x100, s18;
	v9 =	vld [tilespmem:s23+$0x0]  }
0x205: {  	v10 =	vld [tilespmem:s18+$0x70]  }
0x206: {  	v11 =	vld [tilespmem:s23+$0x10]  }
0x207: {  	v12 =	vld [tilespmem:s23+$0x20]  }
0x208: {  	v13 =	vld [tilespmem:s23+$0x30]  }
0x209: {  	v8 =	vmax.f32 v8, $0.0e+00;
	v14 =	vld [tilespmem:s23+$0x40]  }
0x20a: {  	v15 =	vld [tilespmem:s23+$0x50];
	v8 =	vmul.f32 v8, v10  }
0x20b: {  	s19 =	sadd.s32 $0x100, s19;
	v10 =	vld [tilespmem:s23+$0x60]  }
0x20c: {  	v16 =	vld [tilespmem:s23+$0xFFFFFF00];
	[tilespmem:s19+$0x70] =	vst v8  }
0x20d: {  	v8 =	vld [tilespmem:s23+$0xF0]  }
0x20e: {  	v1 =	vld.idx.msk [tilespmem:v1+s6+$0x0], $0xffff  }
0x20f: {  	v2 =	vld.idx.msk [tilespmem:v2+s6+$0x0], $0xffff  }
0x210: {  	v3 =	vld.idx.msk [tilespmem:v3+s6+$0x0], $0xffff  }
0x211: {  	s20 =	sadd.s32 $0x100, s20;
	v4 =	vld.idx.msk [tilespmem:v4+s6+$0x0], $0xffff  }
0x212: {  	v5 =	vld.idx.msk [tilespmem:v5+s6+$0x0], $0xffff;
	[tilespmem:s20+$0x70] =	vst v8  }
0x213: {  	v6 =	vld.idx.msk [tilespmem:v6+s6+$0x0], $0xffff  }
0x214: {  	v1 =	vmax.f32 v1, $0.0e+00;
	v8 =	vld.idx.msk [tilespmem:v16+s6+$0x0], $0xffff  }
0x215: {  	v2 =	vmax.f32 v2, $0.0e+00;
	v7 =	vld.idx.msk [tilespmem:v7+s6+$0x0], $0xffff  }
0x216: {  	v3 =	vmax.f32 v3, $0.0e+00;
	v9 =	vld.idx.msk [tilespmem:v9+s6+$0x0], $0xffff  }
0x217: {  	v4 =	vmax.f32 v4, $0.0e+00;
	v11 =	vld.idx.msk [tilespmem:v11+s6+$0x0], $0xffff  }
0x218: {  	v5 =	vmax.f32 v5, $0.0e+00;
	v12 =	vld.idx.msk [tilespmem:v12+s6+$0x0], $0xffff  }
0x219: {  	v6 =	vmax.f32 v6, $0.0e+00;
	v13 =	vld.idx.msk [tilespmem:v13+s6+$0x0], $0xffff  }
0x21a: {  	v8 =	vmax.f32 v8, $0.0e+00;
	v14 =	vld.idx.msk [tilespmem:v14+s6+$0x0], $0xffff  }
0x21b: {  	v7 =	vmax.f32 v7, $0.0e+00;
	v15 =	vld.idx.msk [tilespmem:v15+s6+$0x0], $0xffff  }
0x21c: {  	v9 =	vmax.f32 v9, $0.0e+00;
	v10 =	vld.idx.msk [tilespmem:v10+s6+$0x0], $0xffff  }
0x21d: {  	v11 =	vmax.f32 v11, $0.0e+00;
	v16 =	vld [tilespmem:s18+$0xFFFFFF80]  }
0x21e: {  	v12 =	vmax.f32 v12, $0.0e+00;
	v17 =	vld [tilespmem:s18+$0xFFFFFF90]  }
0x21f: {  	v13 =	vmax.f32 v13, $0.0e+00;
	v18 =	vld [tilespmem:s18+$0xFFFFFFA0]  }
0x220: {  	v14 =	vmax.f32 v14, $0.0e+00;
	v19 =	vld [tilespmem:s18+$0xFFFFFFB0]  }
0x221: {  	v15 =	vmax.f32 v15, $0.0e+00;
	v20 =	vld [tilespmem:s18+$0xFFFFFFC0]  }
0x222: {  	v10 =	vmax.f32 v10, $0.0e+00;
	v8 =	vmul.f32 v8, v16;
	v16 =	vld [tilespmem:s18+$0xFFFFFFD0]  }
0x223: {  	v1 =	vmul.f32 v1, v17;
	v17 =	vld [tilespmem:s18+$0xFFFFFFE0]  }
0x224: {  	[tilespmem:s19+$0xFFFFFF80] =	vst v8;
	v2 =	vmul.f32 v2, v18;
	v8 =	vld [tilespmem:s18+$0xFFFFFFF0]  }
0x225: {  	[tilespmem:s19+$0xFFFFFF90] =	vst v1;
	v1 =	vmul.f32 v3, v19;
	v3 =	vld [tilespmem:s18+$0x0]  }
0x226: {  	[tilespmem:s19+$0xFFFFFFA0] =	vst v2;
	v2 =	vmul.f32 v4, v20;
	v4 =	vld [tilespmem:s18+$0x10]  }
0x227: {  	[tilespmem:s19+$0xFFFFFFB0] =	vst v1;
	v1 =	vmul.f32 v5, v16;
	v5 =	vld [tilespmem:s18+$0x20]  }
0x228: {  	[tilespmem:s19+$0xFFFFFFC0] =	vst v2;
	v2 =	vmul.f32 v6, v17;
	v6 =	vld [tilespmem:s18+$0x30]  }
0x229: {  	[tilespmem:s19+$0xFFFFFFD0] =	vst v1;
	v1 =	vmul.f32 v7, v8;
	v7 =	vld [tilespmem:s18+$0x40]  }
0x22a: {  	[tilespmem:s19+$0xFFFFFFE0] =	vst v2;
	v2 =	vmul.f32 v9, v3;
	v3 =	vld [tilespmem:s18+$0x50]  }
0x22b: {  	[tilespmem:s19+$0xFFFFFFF0] =	vst v1;
	v1 =	vmul.f32 v11, v4;
	v4 =	vld [tilespmem:s18+$0x60]  }
0x22c: {  	v8 =	vld [tilespmem:s23+$0xFFFFFF80];
	[tilespmem:s19+$0x0] =	vst v2;
	v2 =	vmul.f32 v12, v5  }
0x22d: {  	v5 =	vld [tilespmem:s23+$0xFFFFFF90];
	[tilespmem:s19+$0x10] =	vst v1;
	v1 =	vmul.f32 v13, v6  }
0x22e: {  	v6 =	vld [tilespmem:s23+$0xFFFFFFA0];
	[tilespmem:s19+$0x20] =	vst v2;
	v2 =	vmul.f32 v14, v7  }
0x22f: {  	v7 =	vld [tilespmem:s23+$0xFFFFFFB0];
	[tilespmem:s19+$0x30] =	vst v1;
	v1 =	vmul.f32 v15, v3  }
0x230: {  	v9 =	vld [tilespmem:s23+$0xFFFFFFC0];
	[tilespmem:s19+$0x40] =	vst v2;
	v2 =	vmul.f32 v10, v4  }
0x231: {  	v10 =	vld [tilespmem:s23+$0xFFFFFFD0];
	[tilespmem:s19+$0x50] =	vst v1  }
0x232: {  	v11 =	vld [tilespmem:s23+$0xFFFFFFE0];
	[tilespmem:s19+$0x60] =	vst v2  }
0x233: {  	[tilespmem:s20+$0xFFFFFF80] =	vst v8;
	v8 =	vld [tilespmem:s23+$0xFFFFFFF0]  }
0x234: {  	[tilespmem:s20+$0xFFFFFF90] =	vst v5;
	v1 =	vld [tilespmem:s23+$0x80]  }
0x235: {  	[tilespmem:s20+$0xFFFFFFA0] =	vst v6;
	v2 =	vld [tilespmem:s23+$0x90]  }
.Ltmp11:
0x236: {  	[tilespmem:s20+$0xFFFFFFB0] =	vst v7;
	v3 =	vld [tilespmem:s23+$0xA0];
	(pc) =	sbr.rel @p1 .LBB2_16-.Ltmp11, $4  }
0x237: {  	[tilespmem:s20+$0xFFFFFFC0] =	vst v9;
	v4 =	vld [tilespmem:s23+$0xB0]  }
0x238: {  	[tilespmem:s20+$0xFFFFFFD0] =	vst v10;
	v5 =	vld [tilespmem:s23+$0xC0]  }
0x239: {  	[tilespmem:s20+$0xFFFFFFE0] =	vst v11;
	v6 =	vld [tilespmem:s23+$0xD0]  }
0x23a: {  	[tilespmem:s20+$0xFFFFFFF0] =	vst v8;
	v7 =	vld [tilespmem:s23+$0xE0];
	s23 =	sadd.s32 $0x200, s23  }
0x23b: {  	[tilespmem:s20+$0x0] =	vst v1  }
0x23c: {  	[tilespmem:s20+$0x10] =	vst v2  }
0x23d: {  	[tilespmem:s20+$0x20] =	vst v3  }
0x23e: {  	[tilespmem:s20+$0x30] =	vst v4  }
0x23f: {  	[tilespmem:s20+$0x40] =	vst v5  }
0x240: {  	[tilespmem:s20+$0x50] =	vst v6  }
0x241: {  	[tilespmem:s20+$0x60] =	vst v7  }
0x242: {  	[spmem:s5] =	stream.indirect.scatter.add.f32 [tilespmem:s10], [sflag:$0x8], $0x1, s9, s28, $0xb8;
	[tilespmem:$0x1EF80] =	vst v63  }
.LBB2_18:
0x243: {  	s18 =	sadd.s32 $0x6, s17  }
0x244: {  	p1 =	sge.u32 s18, s7  }
0x245: {  	s18 =	sadd.s32 @!p1 s8, s18  }
0x246: {  	s19 =	sshll.u32 @!p1 s18, $0x8  }
0x247: {  	s20 =	simm.s32 @!p1 $0x0;
	s18 =	sshll.u32 @!p1 s18, $0x7;
	s19 =	sand.u32 @!p1 $0x1FFFFF00, s19  }
0x248: {  	s22 =	simm.s32 @!p1 $0x19700;
	s18 =	sand.u32 @!p1 $0x1FFFFF80, s18;
	s19 =	sadd.s32 @!p1 s1, s19  }
0x249: {  	[tilespmem:s22], [sflag:$0x4] =	stream.linear.gather @!p1 [hbm4b:s19+s20], $0x800, $0x38;
	[tilespmem:$0x1EF80] =	vst v63  }
0x24a: {  	s18 =	sadd.s32 @!p1 s2, s18;
	s19 =	simm.s32 @!p1 $0x1AF00  }
0x24b: {  	[tilespmem:s19], [sflag:$0x4] =	stream.linear.gather @!p1 [hbm4b:s18+s20], $0x400, $0x38;
	[tilespmem:$0x1EF80] =	vst v63  }
0x24c: {  	s18 =	sor.u32 $0x3, s17  }
0x24d: {  	p1 =	sge.u32 @!p0 s18, s21  }
0x24e: {  	p0 =	por p1, p0;
	p1 =	sge.u32 s18, s7  }
.Ltmp12:
0x24f: {  	_ = 	snop;
	(pc) =	sbr.rel @p1 .LBB2_22-.Ltmp12, $4  }
0x250: {  	s19 =	simm.s32 @!p0 $0x9  }
0x251: {  	_ =	swait.ge @!p0 [sflag:s19], $0x400  }
0x252: {  	[sflag:s19] =	ssyncset.done @!p0 $0x0  }
0x253: {  	[sflag:s19] =	ssyncadd.s32 @!p0 $0xFFFFFC00  }
0x254: {  	_ =	swait.ge [sflag:s11], $0x800  }
0x255: {  	[sflag:s11] =	ssyncset.done $0x0  }
0x256: {  	[sflag:s11] =	ssyncadd.s32 $0xFFFFF800  }
0x257: {  	_ =	swait.ge [sflag:s11], $0x400  }
0x258: {  	[sflag:s11] =	ssyncset.done $0x0  }
0x259: {  	s23 =	simm.s32 $0x1A000;
	[sflag:s11] =	ssyncadd.s32 $0xFFFFFC00  }
0x25a: {  	v1 =	vld [tilespmem:s23+$0x70]  }
0x25b: {  	v2 =	vld [tilespmem:s23+$0xFFFFFF10]  }
0x25c: {  	v3 =	vld [tilespmem:s23+$0xFFFFFF20]  }
0x25d: {  	v4 =	vld [tilespmem:s23+$0xFFFFFF30]  }
0x25e: {  	v5 =	vld [tilespmem:s23+$0xFFFFFF40]  }
0x25f: {  	v6 =	vld [tilespmem:s23+$0xFFFFFF50]  }
0x260: {  	v7 =	vld [tilespmem:s23+$0xFFFFFF60]  }
0x261: {  	v8 =	vld [tilespmem:s23+$0xFFFFFF70]  }
0x262: {  	s18 =	simm.s32 $0x1B380;
	v9 =	vld [tilespmem:s23+$0x0]  }
0x263: {  	v10 =	vld [tilespmem:s18+$0x70]  }
0x264: {  	v11 =	vld [tilespmem:s23+$0x10]  }
0x265: {  	v12 =	vld [tilespmem:s23+$0x20]  }
0x266: {  	v13 =	vld [tilespmem:s23+$0x30]  }
0x267: {  	v14 =	vld [tilespmem:s23+$0x40]  }
0x268: {  	v15 =	vld [tilespmem:s23+$0x50]  }
0x269: {  	v56 =	vld [tilespmem:s23+$0x60]  }
0x26a: {  	v16 =	vld [tilespmem:s23+$0xFFFFFF00]  }
0x26b: {  	v17 =	vld [tilespmem:s18+$0xFFFFFF80]  }
0x26c: {  	v18 =	vld [tilespmem:s18+$0xFFFFFF90]  }
0x26d: {  	v19 =	vld [tilespmem:s18+$0xFFFFFFA0]  }
0x26e: {  	v20 =	vld [tilespmem:s18+$0xFFFFFFB0]  }
0x26f: {  	v21 =	vld [tilespmem:s18+$0xFFFFFFC0]  }
0x270: {  	v57 =	vld [tilespmem:s18+$0xFFFFFFD0]  }
0x271: {  	v58 =	vld [tilespmem:s18+$0xFFFFFFF0]  }
0x272: {  	v1 =	vld.idx.msk [tilespmem:v1+s6+$0x0], $0xffff  }
0x273: {  	v2 =	vld.idx.msk [tilespmem:v2+s6+$0x0], $0xffff  }
0x274: {  	v3 =	vld.idx.msk [tilespmem:v3+s6+$0x0], $0xffff  }
0x275: {  	v4 =	vld.idx.msk [tilespmem:v4+s6+$0x0], $0xffff  }
0x276: {  	v5 =	vld.idx.msk [tilespmem:v5+s6+$0x0], $0xffff  }
0x277: {  	v6 =	vld.idx.msk [tilespmem:v6+s6+$0x0], $0xffff  }
0x278: {  	v7 =	vld.idx.msk [tilespmem:v7+s6+$0x0], $0xffff  }
0x279: {  	v16 =	vld.idx.msk [tilespmem:v16+s6+$0x0], $0xffff  }
0x27a: {  	v8 =	vld.idx.msk [tilespmem:v8+s6+$0x0], $0xffff  }
0x27b: {  	v9 =	vld.idx.msk [tilespmem:v9+s6+$0x0], $0xffff;
	v1 =	vmax.f32 v1, $0.0e+00  }
0x27c: {  	v11 =	vld.idx.msk [tilespmem:v11+s6+$0x0], $0xffff;
	v2 =	vmax.f32 v2, $0.0e+00;
	v1 =	vmul.f32 v1, v10  }
0x27d: {  	s19 =	simm.s32 $0x1D380;
	v12 =	vld.idx.msk [tilespmem:v12+s6+$0x0], $0xffff;
	v2 =	vmul.f32 v2, v18  }
0x27e: {  	v13 =	vld.idx.msk [tilespmem:v13+s6+$0x0], $0xffff;
	v4 =	vmax.f32 v4, $0.0e+00;
	[tilespmem:s19+$0x70] =	vst v1  }
0x27f: {  	v16 =	vmax.f32 v16, $0.0e+00;
	[tilespmem:s19+$0xFFFFFF90] =	vst v2;
	v2 =	vmul.f32 v4, v20;
	v1 =	vld [tilespmem:s23+$0xF0]  }
0x280: {  	v14 =	vld.idx.msk [tilespmem:v14+s6+$0x0], $0xffff;
	v6 =	vmax.f32 v6, $0.0e+00;
	v16 =	vmul.f32 v16, v17  }
0x281: {  	v15 =	vld.idx.msk [tilespmem:v15+s6+$0x0], $0xffff;
	[tilespmem:s19+$0xFFFFFFB0] =	vst v2;
	v2 =	vmul.f32 v6, v57  }
0x282: {  	v8 =	vmax.f32 v8, $0.0e+00;
	v10 =	vld.idx.msk [tilespmem:v56+s6+$0x0], $0xffff;
	[tilespmem:s19+$0xFFFFFF80] =	vst v16  }
0x283: {  	s20 =	simm.s32 $0x1C380;
	v4 =	vld [tilespmem:s18+$0x0];
	[tilespmem:s19+$0xFFFFFFD0] =	vst v2;
	v2 =	vmul.f32 v8, v58  }
0x284: {  	[tilespmem:s20+$0x70] =	vst v1;
	v1 =	vmax.f32 v3, $0.0e+00;
	v3 =	vld [tilespmem:s18+$0xFFFFFFE0]  }
0x285: {  	v61 =	vld [tilespmem:s23+$0xFFFFFF80];
	[tilespmem:s19+$0xFFFFFFF0] =	vst v2;
	v1 =	vmul.f32 v1, v19  }
0x286: {  	v5 =	vmax.f32 v5, $0.0e+00;
	v63 =	vld [tilespmem:s23+$0xFFFFFFF0]  }
0x287: {  	[tilespmem:s19+$0xFFFFFFA0] =	vst v1;
	v1 =	vmul.f32 v5, v21;
	v5 =	vld [tilespmem:s18+$0x10]  }
0x288: {  	v7 =	vmax.f32 v7, $0.0e+00;
	v6 =	vld [tilespmem:s18+$0x20]  }
0x289: {  	[tilespmem:s19+$0xFFFFFFC0] =	vst v1;
	v1 =	vmul.f32 v7, v3;
	v3 =	vld [tilespmem:s18+$0x30]  }
0x28a: {  	v8 =	vld [tilespmem:s18+$0x40];
	[tilespmem:s20+$0xFFFFFF80] =	vst v61;
	v7 =	vmax.f32 v9, $0.0e+00  }
0x28b: {  	v59 =	vmax.f32 v11, $0.0e+00;
	[tilespmem:s19+$0xFFFFFFE0] =	vst v1;
	v1 =	vmul.f32 v7, v4;
	v4 =	vld [tilespmem:s18+$0x50]  }
0x28c: {  	v62 =	vld [tilespmem:s23+$0xFFFFFFA0];
	[tilespmem:s20+$0xFFFFFFF0] =	vst v63;
	v7 =	vmax.f32 v12, $0.0e+00;
	v2 =	vmul.f32 v59, v5  }
0x28d: {  	v60 =	vmax.f32 v13, $0.0e+00;
	v5 =	vld [tilespmem:s18+$0x60];
	[tilespmem:s19+$0x0] =	vst v1;
	v1 =	vmul.f32 v7, v6  }
0x28e: {  	v6 =	vmax.f32 v14, $0.0e+00;
	v7 =	vld [tilespmem:s23+$0xFFFFFF90];
	[tilespmem:s19+$0x10] =	vst v2;
	v2 =	vmul.f32 v60, v3  }
0x28f: {  	v3 =	vmax.f32 v15, $0.0e+00;
	[tilespmem:s19+$0x20] =	vst v1;
	v1 =	vmul.f32 v6, v8;
	v8 =	vld [tilespmem:s23+$0xFFFFFFB0]  }
0x290: {  	[tilespmem:s19+$0x30] =	vst v2;
	v2 =	vmul.f32 v3, v4;
	v4 =	vld [tilespmem:s23+$0xFFFFFFC0]  }
0x291: {  	[tilespmem:s20+$0xFFFFFFA0] =	vst v62;
	v6 =	vmax.f32 v10, $0.0e+00;
	v3 =	vld [tilespmem:s23+$0xA0]  }
0x292: {  	[tilespmem:s19+$0x40] =	vst v1;
	v1 =	vmul.f32 v6, v5;
	v5 =	vld [tilespmem:s23+$0xFFFFFFD0]  }
0x293: {  	v6 =	vld [tilespmem:s23+$0xFFFFFFE0];
	[tilespmem:s19+$0x50] =	vst v2  }
0x294: {  	[tilespmem:s20+$0xFFFFFF90] =	vst v7;
	v2 =	vld [tilespmem:s23+$0x90]  }
0x295: {  	[tilespmem:s19+$0x60] =	vst v1;
	v1 =	vld [tilespmem:s23+$0x80]  }
0x296: {  	[tilespmem:s20+$0xFFFFFFB0] =	vst v8;
	v7 =	vld [tilespmem:s23+$0xE0]  }
0x297: {  	[tilespmem:s20+$0xFFFFFFC0] =	vst v4;
	v4 =	vld [tilespmem:s23+$0xB0]  }
0x298: {  	[tilespmem:s20+$0xFFFFFFD0] =	vst v5;
	v5 =	vld [tilespmem:s23+$0xC0]  }
0x299: {  	s22 =	simm.s32 $0x0;
	[tilespmem:s20+$0xFFFFFFE0] =	vst v6;
	v6 =	vld [tilespmem:s23+$0xD0];
	s23 =	simm.s32 $0x1A200  }
.LBB2_20:
0x29a: {  	v8 =	vld [tilespmem:s23+$0x70];
	s22 =	sadd.s32 $0x100, s22;
	[tilespmem:s20+$0x0] =	vst v1  }
0x29b: {  	v1 =	vld [tilespmem:s23+$0xFFFFFF10];
	p0 =	slt.u32 s22, $0x300;
	[tilespmem:s20+$0x10] =	vst v2  }
0x29c: {  	v2 =	vld [tilespmem:s23+$0xFFFFFF20];
	[tilespmem:s20+$0x20] =	vst v3  }
0x29d: {  	v3 =	vld [tilespmem:s23+$0xFFFFFF30];
	[tilespmem:s20+$0x30] =	vst v4  }
0x29e: {  	v4 =	vld [tilespmem:s23+$0xFFFFFF40];
	[tilespmem:s20+$0x40] =	vst v5  }
0x29f: {  	v5 =	vld [tilespmem:s23+$0xFFFFFF50];
	[tilespmem:s20+$0x50] =	vst v6  }
0x2a0: {  	v6 =	vld [tilespmem:s23+$0xFFFFFF60];
	[tilespmem:s20+$0x60] =	vst v7  }
0x2a1: {  	v7 =	vld [tilespmem:s23+$0xFFFFFF70]  }
0x2a2: {  	v8 =	vld.idx.msk [tilespmem:v8+s6+$0x0], $0xffff  }
0x2a3: {  	s18 =	sadd.s32 $0x100, s18;
	v9 =	vld [tilespmem:s23+$0x0]  }
0x2a4: {  	v10 =	vld [tilespmem:s18+$0x70]  }
0x2a5: {  	v11 =	vld [tilespmem:s23+$0x10]  }
0x2a6: {  	v12 =	vld [tilespmem:s23+$0x20]  }
0x2a7: {  	v13 =	vld [tilespmem:s23+$0x30]  }
0x2a8: {  	v8 =	vmax.f32 v8, $0.0e+00;
	v14 =	vld [tilespmem:s23+$0x40]  }
0x2a9: {  	v15 =	vld [tilespmem:s23+$0x50];
	v8 =	vmul.f32 v8, v10  }
0x2aa: {  	s19 =	sadd.s32 $0x100, s19;
	v10 =	vld [tilespmem:s23+$0x60]  }
0x2ab: {  	v16 =	vld [tilespmem:s23+$0xFFFFFF00];
	[tilespmem:s19+$0x70] =	vst v8  }
0x2ac: {  	v8 =	vld [tilespmem:s23+$0xF0]  }
0x2ad: {  	v1 =	vld.idx.msk [tilespmem:v1+s6+$0x0], $0xffff  }
0x2ae: {  	v2 =	vld.idx.msk [tilespmem:v2+s6+$0x0], $0xffff  }
0x2af: {  	v3 =	vld.idx.msk [tilespmem:v3+s6+$0x0], $0xffff  }
0x2b0: {  	s20 =	sadd.s32 $0x100, s20;
	v4 =	vld.idx.msk [tilespmem:v4+s6+$0x0], $0xffff  }
0x2b1: {  	v5 =	vld.idx.msk [tilespmem:v5+s6+$0x0], $0xffff;
	[tilespmem:s20+$0x70] =	vst v8  }
0x2b2: {  	v6 =	vld.idx.msk [tilespmem:v6+s6+$0x0], $0xffff  }
0x2b3: {  	v1 =	vmax.f32 v1, $0.0e+00;
	v8 =	vld.idx.msk [tilespmem:v16+s6+$0x0], $0xffff  }
0x2b4: {  	v2 =	vmax.f32 v2, $0.0e+00;
	v7 =	vld.idx.msk [tilespmem:v7+s6+$0x0], $0xffff  }
0x2b5: {  	v3 =	vmax.f32 v3, $0.0e+00;
	v9 =	vld.idx.msk [tilespmem:v9+s6+$0x0], $0xffff  }
0x2b6: {  	v4 =	vmax.f32 v4, $0.0e+00;
	v11 =	vld.idx.msk [tilespmem:v11+s6+$0x0], $0xffff  }
0x2b7: {  	v5 =	vmax.f32 v5, $0.0e+00;
	v12 =	vld.idx.msk [tilespmem:v12+s6+$0x0], $0xffff  }
0x2b8: {  	v6 =	vmax.f32 v6, $0.0e+00;
	v13 =	vld.idx.msk [tilespmem:v13+s6+$0x0], $0xffff  }
0x2b9: {  	v8 =	vmax.f32 v8, $0.0e+00;
	v14 =	vld.idx.msk [tilespmem:v14+s6+$0x0], $0xffff  }
0x2ba: {  	v7 =	vmax.f32 v7, $0.0e+00;
	v15 =	vld.idx.msk [tilespmem:v15+s6+$0x0], $0xffff  }
0x2bb: {  	v9 =	vmax.f32 v9, $0.0e+00;
	v10 =	vld.idx.msk [tilespmem:v10+s6+$0x0], $0xffff  }
0x2bc: {  	v11 =	vmax.f32 v11, $0.0e+00;
	v16 =	vld [tilespmem:s18+$0xFFFFFF80]  }
0x2bd: {  	v12 =	vmax.f32 v12, $0.0e+00;
	v17 =	vld [tilespmem:s18+$0xFFFFFF90]  }
0x2be: {  	v13 =	vmax.f32 v13, $0.0e+00;
	v18 =	vld [tilespmem:s18+$0xFFFFFFA0]  }
0x2bf: {  	v14 =	vmax.f32 v14, $0.0e+00;
	v19 =	vld [tilespmem:s18+$0xFFFFFFB0]  }
0x2c0: {  	v15 =	vmax.f32 v15, $0.0e+00;
	v20 =	vld [tilespmem:s18+$0xFFFFFFC0]  }
0x2c1: {  	v10 =	vmax.f32 v10, $0.0e+00;
	v8 =	vmul.f32 v8, v16;
	v16 =	vld [tilespmem:s18+$0xFFFFFFD0]  }
0x2c2: {  	v1 =	vmul.f32 v1, v17;
	v17 =	vld [tilespmem:s18+$0xFFFFFFE0]  }
0x2c3: {  	[tilespmem:s19+$0xFFFFFF80] =	vst v8;
	v2 =	vmul.f32 v2, v18;
	v8 =	vld [tilespmem:s18+$0xFFFFFFF0]  }
0x2c4: {  	[tilespmem:s19+$0xFFFFFF90] =	vst v1;
	v1 =	vmul.f32 v3, v19;
	v3 =	vld [tilespmem:s18+$0x0]  }
0x2c5: {  	[tilespmem:s19+$0xFFFFFFA0] =	vst v2;
	v2 =	vmul.f32 v4, v20;
	v4 =	vld [tilespmem:s18+$0x10]  }
0x2c6: {  	[tilespmem:s19+$0xFFFFFFB0] =	vst v1;
	v1 =	vmul.f32 v5, v16;
	v5 =	vld [tilespmem:s18+$0x20]  }
0x2c7: {  	[tilespmem:s19+$0xFFFFFFC0] =	vst v2;
	v2 =	vmul.f32 v6, v17;
	v6 =	vld [tilespmem:s18+$0x30]  }
0x2c8: {  	[tilespmem:s19+$0xFFFFFFD0] =	vst v1;
	v1 =	vmul.f32 v7, v8;
	v7 =	vld [tilespmem:s18+$0x40]  }
0x2c9: {  	[tilespmem:s19+$0xFFFFFFE0] =	vst v2;
	v2 =	vmul.f32 v9, v3;
	v3 =	vld [tilespmem:s18+$0x50]  }
0x2ca: {  	[tilespmem:s19+$0xFFFFFFF0] =	vst v1;
	v1 =	vmul.f32 v11, v4;
	v4 =	vld [tilespmem:s18+$0x60]  }
0x2cb: {  	v8 =	vld [tilespmem:s23+$0xFFFFFF80];
	[tilespmem:s19+$0x0] =	vst v2;
	v2 =	vmul.f32 v12, v5  }
0x2cc: {  	v5 =	vld [tilespmem:s23+$0xFFFFFF90];
	[tilespmem:s19+$0x10] =	vst v1;
	v1 =	vmul.f32 v13, v6  }
0x2cd: {  	v6 =	vld [tilespmem:s23+$0xFFFFFFA0];
	[tilespmem:s19+$0x20] =	vst v2;
	v2 =	vmul.f32 v14, v7  }
0x2ce: {  	v7 =	vld [tilespmem:s23+$0xFFFFFFB0];
	[tilespmem:s19+$0x30] =	vst v1;
	v1 =	vmul.f32 v15, v3  }
0x2cf: {  	v9 =	vld [tilespmem:s23+$0xFFFFFFC0];
	[tilespmem:s19+$0x40] =	vst v2;
	v2 =	vmul.f32 v10, v4  }
0x2d0: {  	v10 =	vld [tilespmem:s23+$0xFFFFFFD0];
	[tilespmem:s19+$0x50] =	vst v1  }
0x2d1: {  	v11 =	vld [tilespmem:s23+$0xFFFFFFE0];
	[tilespmem:s19+$0x60] =	vst v2  }
0x2d2: {  	[tilespmem:s20+$0xFFFFFF80] =	vst v8;
	v8 =	vld [tilespmem:s23+$0xFFFFFFF0]  }
0x2d3: {  	[tilespmem:s20+$0xFFFFFF90] =	vst v5;
	v1 =	vld [tilespmem:s23+$0x80]  }
0x2d4: {  	[tilespmem:s20+$0xFFFFFFA0] =	vst v6;
	v2 =	vld [tilespmem:s23+$0x90]  }
.Ltmp13:
0x2d5: {  	[tilespmem:s20+$0xFFFFFFB0] =	vst v7;
	v3 =	vld [tilespmem:s23+$0xA0];
	(pc) =	sbr.rel @p0 .LBB2_20-.Ltmp13, $4  }
0x2d6: {  	[tilespmem:s20+$0xFFFFFFC0] =	vst v9;
	v4 =	vld [tilespmem:s23+$0xB0]  }
0x2d7: {  	[tilespmem:s20+$0xFFFFFFD0] =	vst v10;
	v5 =	vld [tilespmem:s23+$0xC0]  }
0x2d8: {  	[tilespmem:s20+$0xFFFFFFE0] =	vst v11;
	v6 =	vld [tilespmem:s23+$0xD0]  }
0x2d9: {  	[tilespmem:s20+$0xFFFFFFF0] =	vst v8;
	v7 =	vld [tilespmem:s23+$0xE0];
	s23 =	sadd.s32 $0x200, s23  }
0x2da: {  	[tilespmem:s20+$0x0] =	vst v1  }
0x2db: {  	[tilespmem:s20+$0x10] =	vst v2  }
0x2dc: {  	[tilespmem:s20+$0x20] =	vst v3  }
.Ltmp14:
0x2dd: {  	[tilespmem:s20+$0x30] =	vst v4;
	(pc) =	sbr.rel .LBB2_22-.Ltmp14, $4  }
0x2de: {  	[tilespmem:s20+$0x40] =	vst v5  }
0x2df: {  	[tilespmem:s20+$0x50] =	vst v6  }
0x2e0: {  	[tilespmem:s20+$0x60] =	vst v7  }
0x2e1: {  	[spmem:s5] =	stream.indirect.scatter.add.f32 [tilespmem:s13], [sflag:$0x9], $0x1, s12, s28, $0xb8;
	[tilespmem:$0x1EF80] =	vst v63  }
.LBB2_24:
0x2e2: {  	_ =	sfence.sel $0x180000  }
0x2e3: {  	[bflag:$0x0] =	sbarrier.arrive $0xFFFF  }
0x2e4: {  	_ =	strace $0x90000047  }
0x2e5: {  	s0 =	stileid.u32;
	[bflag:$0x2] =	sbarrier.arrive $0xFFFF  }
0x2e6: {  	p0 =	sne.s32 s0, $0x0;
	s0 =	rddreg [dreg:$0x5]  }
0x2e7: {  	s0 =	sadd.s32 @!p0 $0x100000, s0  }
0x2e8: {  	[sflag:s0] =	ssyncadd.tile.s32 @!p0 $0x1;
	_ =	shalt  }
.Lfunc_end2:
_tile_overlayer_lowered:
.L_overlay_start_2:
0x2e9: {  	(tag) =	ssettag $0x2  }
0x2ea: {  	s0 =	rddreg [dreg:$0x0];
	s2 =	stileid.u32  }
0x2eb: {  	s1 =	rddreg [dreg:$0x1];
	p0 =	sne.s32 s2, $0x0  }
0x2ec: {  	s3 =	rddreg [dreg:$0x2];
	[bflag:$0x3] =	sbarrier.arrive $0xFFFF;
	s2 =	simm.s32 @!p0 $0x1C0A  }
0x2ed: {  	[timem:s3], [sflag:s2] =	dma.local @!p0 [hbm:s0], s1  }
0x2ee: {  	s0 =	simm.s32 @!p0 $0xA  }
0x2ef: {  	_ =	swait.ge @!p0 [sflag:s0], s1  }
0x2f0: {  	s1 =	ssub.s32 @!p0 $0x0, s1;
	[sflag:s0] =	ssyncset.done @!p0 $0x0  }
0x2f1: {  	[sflag:s0] =	ssyncadd.s32 @!p0 s1  }
0x2f2: {  	[bflag:$0x3] =	sbarrier.arrive $0xFFFF  }
0x2f3: {  	_ =	shalt  }

</sc_bundles>
